<compile_context>
chip_gen: v7x
topology: tpu7x:2x2x1
jax: 0.10.2.dev20260603
libtpu: 0.0.44.dev20260713+nightly
codegen_flags: <defaults>
</compile_context>

<pallas_src>
import dataclasses
import functools

import jax
import jax.numpy as jnp
from jax import lax
from jax.experimental import pallas as pl
from jax.experimental.pallas import tpu as pltpu
from jax.experimental.pallas import tpu_sc as plsc

_NC = 19
_R = 128
_H = 512
_W = 512
_B = 4

_NPIX = _B * _H * _W
_NW = 32
_CHUNK = _NPIX // _NW
_HPAD = 368
_LANES = 16


def _argmax_body(pred_ref, label_ref, comb_ref):
    x = pred_ref[0]
    best = x[0]
    bidx = jnp.zeros((_R, _W), jnp.int32)
    for c in range(1, _NC):
        xc = x[c]
        take = xc > best
        best = jnp.where(take, xc, best)
        bidx = jnp.where(take, c, bidx)
    comb_ref[0] = label_ref[0] * _NC + bidx


def _combined_index(pred, label):
    return pl.pallas_call(
        _argmax_body,
        grid=(_B, _H // _R),
        in_specs=[
            pl.BlockSpec((1, _NC, _R, _W), lambda b, r: (b, 0, r, 0)),
            pl.BlockSpec((1, _R, _W), lambda b, r: (b, r, 0)),
        ],
        out_specs=pl.BlockSpec((1, _R, _W), lambda b, r: (b, r, 0)),
        out_shape=jax.ShapeDtypeStruct((_B, _H, _W), jnp.int32),
    )(pred, label)


def _sc_hist(flat):
    mesh = plsc.VectorSubcoreMesh(core_axis_name="c", subcore_axis_name="s")
    cp = pltpu.CompilerParams()
    if "needs_layout_passes" in pltpu.CompilerParams.__dataclass_fields__:
        cp = dataclasses.replace(cp, needs_layout_passes=False)

    @functools.partial(
        pl.kernel,
        compiler_params=cp,
        out_type=jax.ShapeDtypeStruct((_NW, _HPAD), jnp.int32),
        mesh=mesh,
        scratch_types=[
            pltpu.VMEM((_CHUNK,), jnp.int32),
            pltpu.VMEM((_LANES * _HPAD,), jnp.int32),
            pltpu.VMEM((_HPAD,), jnp.int32),
            pltpu.SemaphoreType.DMA,
            pltpu.SemaphoreType.DMA,
        ],
    )
    def hist_kernel(flat_hbm, out_hbm, idx_v, h16_v, hsum_v, sem, sem2):
        wid = lax.axis_index("s") * 2 + lax.axis_index("c")
        base = wid * _CHUNK
        half = _CHUNK // 2
        cp1 = pltpu.async_copy(
            flat_hbm.at[pl.ds(base, half)], idx_v.at[pl.ds(0, half)], sem)
        cp2 = pltpu.async_copy(
            flat_hbm.at[pl.ds(base + half, half)],
            idx_v.at[pl.ds(half, half)], sem2)

        lane = lax.iota(jnp.int32, _LANES)
        lane_base = lane * _HPAD
        ones = jnp.ones((_LANES,), jnp.int32)
        zeros = jnp.zeros((_LANES,), jnp.int32)

        @plsc.parallel_loop(0, _LANES * _HPAD, step=_LANES, unroll=8)
        def _zero(i):
            h16_v[pl.ds(i, _LANES)] = zeros

        cp1.wait()

        @plsc.parallel_loop(0, half, step=_LANES, unroll=8)
        def _accum1(i):
            v = idx_v[pl.ds(i, _LANES)]
            plsc.addupdate_scatter(h16_v, [lane_base + v], ones)

        cp2.wait()

        @plsc.parallel_loop(half, _CHUNK, step=_LANES, unroll=8)
        def _accum2(i):
            v = idx_v[pl.ds(i, _LANES)]
            plsc.addupdate_scatter(h16_v, [lane_base + v], ones)

        @plsc.parallel_loop(0, _HPAD, step=_LANES, unroll=2)
        def _reduce(c):
            acc = zeros
            for l in range(_LANES):
                acc = acc + h16_v[pl.ds(l * _HPAD + c, _LANES)]
            hsum_v[pl.ds(c, _LANES)] = acc

        pltpu.async_copy(hsum_v, out_hbm.at[wid], sem).wait()

    return hist_kernel(flat)


def _finalize_body(part_ref, out_ref):
    h = jnp.sum(part_ref[...].astype(jnp.float32), axis=0)
    ri = lax.broadcasted_iota(jnp.int32, (_NC, _NC), 0)
    ci = lax.broadcasted_iota(jnp.int32, (_NC, _NC), 1)
    eye = ri == ci
    d = jnp.sum(jnp.where(eye, h, 0.0), axis=1)
    row = jnp.sum(h, axis=1)
    col = jnp.sum(h, axis=0)
    denom = row + col - d
    idx = lax.iota(jnp.int32, _NC)
    valid = (denom > 0.0) & (idx >= 1)
    iou = jnp.where(valid, d / jnp.where(denom > 0.0, denom, 1.0), 0.0)
    cnt = jnp.sum(valid.astype(jnp.float32))
    out_ref[...] = (1.0 - jnp.sum(iou) / cnt).reshape(1, 1)


def _finalize(partials):
    return pl.pallas_call(
        _finalize_body,
        out_shape=jax.ShapeDtypeStruct((1, 1), jnp.float32),
    )(partials)


@jax.jit
def kernel(pred, label):
    label = label.astype(jnp.int32)
    comb = _combined_index(pred, label)
    partials = _sc_hist(comb.reshape(_NPIX))
    out = _finalize(partials[:, : _NC * _NC].reshape(_NW, _NC, _NC))
    return out[0, 0]

# --- scband reference (transcript-rebuilt; emitter-appended) ---
"""Pipeline reference for scband-iou-loss-29480655520261 (READ-ONLY COPY).

The authoritative reference and input builder live on the scoring server;
editing this copy changes nothing except your own understanding.
"""

import jax, jax.numpy as jnp
import numpy as np

N_CLASSES = 19


def setup_inputs(seed: int = 0) -> dict:
    key = jax.random.key(seed)
    k1, k2 = jax.random.split(key)
    pred = jax.random.normal(k1, (4, N_CLASSES, 512, 512), dtype=jnp.float32)
    label = jax.random.randint(k2, (4, 512, 512), 0, N_CLASSES, dtype=jnp.int64)
    return {"pred": pred, "label": label}


def fast_hist(pred, label, n_classes):
    return jnp.bincount(n_classes * label + pred, length=n_classes ** 2).reshape(n_classes, n_classes)


def per_class_iu(hist):
    d = jnp.diag(hist)
    return d / (jnp.sum(hist, 1) + jnp.sum(hist, 0) - d)


def reference(pred, label):
    n_classes = N_CLASSES
    p = jnp.argmax(jax.nn.softmax(pred, axis=1), axis=1)
    hist = fast_hist(p.flatten(), label.flatten(), n_classes)
    ious = per_class_iu(hist)
    mIoU = jnp.nanmean(ious[1:n_classes])
    return 1.0 - mIoU

if __name__ == "__main__":
    import jax
    _d = setup_inputs()
    print(jax.jit(kernel)(*tuple(_d.values())))

</pallas_src>

<mosaic_0001>
#map = affine_map<(d0, d1) -> (0)>
#map1 = affine_map<(d0, d1) -> (0, 0)>
module attributes {stable_mosaic.version = 14 : i64} {
  func.func @hist_kernel(%arg0: i32, %arg1: i32, %arg2: memref<1048576xi32, #tpu.memory_space<hbm>>, %arg3: memref<32x368xi32, #tpu.memory_space<hbm>>, %arg4: memref<32768xi32, #tpu.memory_space<vmem>>, %arg5: memref<5888xi32, #tpu.memory_space<vmem>>, %arg6: memref<368xi32, #tpu.memory_space<vmem>>, %arg7: memref<!tpu.dma_semaphore, #tpu.memory_space<semaphore_mem>>, %arg8: memref<!tpu.dma_semaphore, #tpu.memory_space<semaphore_mem>>) attributes {dimension_semantics = [#tpu.dimension_semantics<core_parallel>, #tpu.dimension_semantics<subcore_parallel>], iteration_bounds = array<i64: 2, 16>, scalar_prefetch = 0 : i64, scratch_operands = 5 : i64, tpu.core_type = #tpu.core_type<sc_vector_subcore>, window_params = [{transform_indices = #map}, {transform_indices = #map1}]} {
    %mul3A = arith.constant 2 : i32
    %mul3A_0 = arith.muli %arg1, %mul3A : i32
    %add3A = arith.addi %mul3A_0, %arg0 : i32
    %mul3A_1 = arith.constant 32768 : i32
    %mul3A_2 = arith.muli %add3A, %mul3A_1 : i32
    %dma_start3A = arith.constant 0 : i32
    %dma_start3A_3 = tpu.memref_slice %arg4[%dma_start3A] : memref<32768xi32, #tpu.memory_space<vmem>> -> memref<16384xi32, #tpu.memory_space<vmem>>
    %dma_start3A_4 = tpu.memref_slice %arg2[%mul3A_2] : memref<1048576xi32, #tpu.memory_space<hbm>> -> memref<16384xi32, #tpu.memory_space<hbm>>
    %dma_start3A_5 = arith.constant 0 : i32
    %dma_start3A_6 = tpu.memref_slice %arg4[%dma_start3A_5] : memref<32768xi32, #tpu.memory_space<vmem>> -> memref<16384xi32, #tpu.memory_space<vmem>>
    %dma_start3A_7 = tpu.memref_slice %arg2[%mul3A_2] : memref<1048576xi32, #tpu.memory_space<hbm>> -> memref<16384xi32, #tpu.memory_space<hbm>>
    tpu.enqueue_dma source(%dma_start3A_7 : memref<16384xi32, #tpu.memory_space<hbm>>) target(%dma_start3A_6 : memref<16384xi32, #tpu.memory_space<vmem>>) target_semaphore(%arg7 : memref<!tpu.dma_semaphore, #tpu.memory_space<semaphore_mem>>)
    %add3A_8 = arith.constant 16384 : i32
    %add3A_9 = arith.addi %mul3A_2, %add3A_8 : i32
    %dma_start3A_10 = arith.constant 16384 : i32
    %dma_start3A_11 = tpu.memref_slice %arg4[%dma_start3A_10] : memref<32768xi32, #tpu.memory_space<vmem>> -> memref<16384xi32, #tpu.memory_space<vmem>>
    %dma_start3A_12 = tpu.memref_slice %arg2[%add3A_9] : memref<1048576xi32, #tpu.memory_space<hbm>> -> memref<16384xi32, #tpu.memory_space<hbm>>
    %dma_start3A_13 = arith.constant 16384 : i32
    %dma_start3A_14 = tpu.memref_slice %arg4[%dma_start3A_13] : memref<32768xi32, #tpu.memory_space<vmem>> -> memref<16384xi32, #tpu.memory_space<vmem>>
    %dma_start3A_15 = tpu.memref_slice %arg2[%add3A_9] : memref<1048576xi32, #tpu.memory_space<hbm>> -> memref<16384xi32, #tpu.memory_space<hbm>>
    tpu.enqueue_dma source(%dma_start3A_15 : memref<16384xi32, #tpu.memory_space<hbm>>) target(%dma_start3A_14 : memref<16384xi32, #tpu.memory_space<vmem>>) target_semaphore(%arg8 : memref<!tpu.dma_semaphore, #tpu.memory_space<semaphore_mem>>)
    %iota3A = tpu.iota {dimensions = array<i32: 0>} : vector<16xi32>
    %mul3A_16 = arith.constant 368 : i32
    %mul3A_17 = vector.broadcast %mul3A_16 : i32 to vector<16xi32>
    %mul3A_18 = arith.muli %iota3A, %mul3A_17 : vector<16xi32>
    %broadcast_in_dim3A = arith.constant 1 : i32
    %broadcast_in_dim3A_19 = vector.broadcast %broadcast_in_dim3A : i32 to vector<16xi32>
    %broadcast_in_dim3A_20 = arith.constant 0 : i32
    %broadcast_in_dim3A_21 = vector.broadcast %broadcast_in_dim3A_20 : i32 to vector<16xi32>
    %parallel_loop3A = arith.constant 0 : i32
    %parallel_loop3A_22 = arith.constant 5888 : i32
    %parallel_loop3A_23 = arith.constant 16 : i32
    scf.for %parallel_loop3A_56 = %parallel_loop3A to %parallel_loop3A_22 step %parallel_loop3A_23  : i32 {
      %parallel_loop3A_57 = arith.index_cast %parallel_loop3A_56 : i32 to index
      %parallel_loop3A_58 = tpu.vector_load %arg5[%parallel_loop3A_57] {strides = array<i32>} : memref<5888xi32, #tpu.memory_space<vmem>>, vector<16xi32>,
      tpu.vector_store %arg5[%parallel_loop3A_57], %broadcast_in_dim3A_21 {strides = array<i32>} : memref<5888xi32, #tpu.memory_space<vmem>>, vector<16xi32>,
    } {sc.loop_unroll_factor = 8 : i64, sc.parallel_access}
    %dma_wait3A = arith.constant 0 : i32
    %dma_wait3A_24 = tpu.memref_slice %arg4[%dma_wait3A] : memref<32768xi32, #tpu.memory_space<vmem>> -> memref<16384xi32, #tpu.memory_space<vmem>>
    %dma_wait3A_25 = tpu.memref_slice %arg2[%mul3A_2] : memref<1048576xi32, #tpu.memory_space<hbm>> -> memref<16384xi32, #tpu.memory_space<hbm>>
    %dma_wait3A_26 = arith.constant 0 : i32
    %dma_wait3A_27 = tpu.memref_slice %arg4[%dma_wait3A_26] : memref<32768xi32, #tpu.memory_space<vmem>> -> memref<16384xi32, #tpu.memory_space<vmem>>
    %dma_wait3A_28 = tpu.memref_slice %arg2[%mul3A_2] : memref<1048576xi32, #tpu.memory_space<hbm>> -> memref<16384xi32, #tpu.memory_space<hbm>>
    tpu.wait_dma2 semaphore(%arg7 : memref<!tpu.dma_semaphore, #tpu.memory_space<semaphore_mem>>) src(%dma_wait3A_28 : memref<16384xi32, #tpu.memory_space<hbm>>) dst(%dma_wait3A_27 : memref<16384xi32, #tpu.memory_space<vmem>>)
    %parallel_loop3A_29 = arith.constant 0 : i32
    %parallel_loop3A_30 = arith.constant 16384 : i32
    %parallel_loop3A_31 = arith.constant 16 : i32
    scf.for %parallel_loop3A_56 = %parallel_loop3A_29 to %parallel_loop3A_30 step %parallel_loop3A_31  : i32 {
      %parallel_loop3A_57 = arith.index_cast %parallel_loop3A_56 : i32 to index
      %parallel_loop3A_58 = tpu.vector_load %arg4[%parallel_loop3A_57] {strides = array<i32>} : memref<32768xi32, #tpu.memory_space<vmem>>, vector<16xi32>,
      %parallel_loop3A_59 = arith.addi %mul3A_18, %parallel_loop3A_58 : vector<16xi32>
      tpu.vector_store_idx %arg5[%parallel_loop3A_59], %broadcast_in_dim3A_19 {add = true} : memref<5888xi32, #tpu.memory_space<vmem>>[vector<16xi32>], vector<16xi32>,
    } {sc.loop_unroll_factor = 8 : i64, sc.parallel_access}
    %dma_wait3A_32 = arith.constant 16384 : i32
    %dma_wait3A_33 = tpu.memref_slice %arg4[%dma_wait3A_32] : memref<32768xi32, #tpu.memory_space<vmem>> -> memref<16384xi32, #tpu.memory_space<vmem>>
    %dma_wait3A_34 = tpu.memref_slice %arg2[%add3A_9] : memref<1048576xi32, #tpu.memory_space<hbm>> -> memref<16384xi32, #tpu.memory_space<hbm>>
    %dma_wait3A_35 = arith.constant 16384 : i32
    %dma_wait3A_36 = tpu.memref_slice %arg4[%dma_wait3A_35] : memref<32768xi32, #tpu.memory_space<vmem>> -> memref<16384xi32, #tpu.memory_space<vmem>>
    %dma_wait3A_37 = tpu.memref_slice %arg2[%add3A_9] : memref<1048576xi32, #tpu.memory_space<hbm>> -> memref<16384xi32, #tpu.memory_space<hbm>>
    tpu.wait_dma2 semaphore(%arg8 : memref<!tpu.dma_semaphore, #tpu.memory_space<semaphore_mem>>) src(%dma_wait3A_37 : memref<16384xi32, #tpu.memory_space<hbm>>) dst(%dma_wait3A_36 : memref<16384xi32, #tpu.memory_space<vmem>>)
    %parallel_loop3A_38 = arith.constant 16384 : i32
    %parallel_loop3A_39 = arith.constant 32768 : i32
    %parallel_loop3A_40 = arith.constant 16 : i32
    scf.for %parallel_loop3A_56 = %parallel_loop3A_38 to %parallel_loop3A_39 step %parallel_loop3A_40  : i32 {
      %parallel_loop3A_57 = arith.index_cast %parallel_loop3A_56 : i32 to index
      %parallel_loop3A_58 = tpu.vector_load %arg4[%parallel_loop3A_57] {strides = array<i32>} : memref<32768xi32, #tpu.memory_space<vmem>>, vector<16xi32>,
      %parallel_loop3A_59 = arith.addi %mul3A_18, %parallel_loop3A_58 : vector<16xi32>
      tpu.vector_store_idx %arg5[%parallel_loop3A_59], %broadcast_in_dim3A_19 {add = true} : memref<5888xi32, #tpu.memory_space<vmem>>[vector<16xi32>], vector<16xi32>,
    } {sc.loop_unroll_factor = 8 : i64, sc.parallel_access}
    %parallel_loop3A_41 = arith.constant 0 : i32
    %parallel_loop3A_42 = arith.constant 368 : i32
    %parallel_loop3A_43 = arith.constant 16 : i32
    scf.for %parallel_loop3A_56 = %parallel_loop3A_41 to %parallel_loop3A_42 step %parallel_loop3A_43  : i32 {
      %parallel_loop3A_57 = arith.constant 0 : i32
      %parallel_loop3A_58 = arith.addi %parallel_loop3A_57, %parallel_loop3A_56 : i32
      %parallel_loop3A_59 = arith.index_cast %parallel_loop3A_58 : i32 to index
      %parallel_loop3A_60 = tpu.vector_load %arg5[%parallel_loop3A_59] {strides = array<i32>} : memref<5888xi32, #tpu.memory_space<vmem>>, vector<16xi32>,
      %parallel_loop3A_61 = arith.addi %broadcast_in_dim3A_21, %parallel_loop3A_60 : vector<16xi32>
      %parallel_loop3A_62 = arith.constant 368 : i32
      %parallel_loop3A_63 = arith.addi %parallel_loop3A_62, %parallel_loop3A_56 : i32
      %parallel_loop3A_64 = arith.index_cast %parallel_loop3A_63 : i32 to index
      %parallel_loop3A_65 = tpu.vector_load %arg5[%parallel_loop3A_64] {strides = array<i32>} : memref<5888xi32, #tpu.memory_space<vmem>>, vector<16xi32>,
      %parallel_loop3A_66 = arith.addi %parallel_loop3A_61, %parallel_loop3A_65 : vector<16xi32>
      %parallel_loop3A_67 = arith.constant 736 : i32
      %parallel_loop3A_68 = arith.addi %parallel_loop3A_67, %parallel_loop3A_56 : i32
      %parallel_loop3A_69 = arith.index_cast %parallel_loop3A_68 : i32 to index
      %parallel_loop3A_70 = tpu.vector_load %arg5[%parallel_loop3A_69] {strides = array<i32>} : memref<5888xi32, #tpu.memory_space<vmem>>, vector<16xi32>,
      %parallel_loop3A_71 = arith.addi %parallel_loop3A_66, %parallel_loop3A_70 : vector<16xi32>
      %parallel_loop3A_72 = arith.constant 1104 : i32
      %parallel_loop3A_73 = arith.addi %parallel_loop3A_72, %parallel_loop3A_56 : i32
      %parallel_loop3A_74 = arith.index_cast %parallel_loop3A_73 : i32 to index
      %parallel_loop3A_75 = tpu.vector_load %arg5[%parallel_loop3A_74] {strides = array<i32>} : memref<5888xi32, #tpu.memory_space<vmem>>, vector<16xi32>,
      %parallel_loop3A_76 = arith.addi %parallel_loop3A_71, %parallel_loop3A_75 : vector<16xi32>
      %parallel_loop3A_77 = arith.constant 1472 : i32
      %parallel_loop3A_78 = arith.addi %parallel_loop3A_77, %parallel_loop3A_56 : i32
      %parallel_loop3A_79 = arith.index_cast %parallel_loop3A_78 : i32 to index
      %parallel_loop3A_80 = tpu.vector_load %arg5[%parallel_loop3A_79] {strides = array<i32>} : memref<5888xi32, #tpu.memory_space<vmem>>, vector<16xi32>,
      %parallel_loop3A_81 = arith.addi %parallel_loop3A_76, %parallel_loop3A_80 : vector<16xi32>
      %parallel_loop3A_82 = arith.constant 1840 : i32
      %parallel_loop3A_83 = arith.addi %parallel_loop3A_82, %parallel_loop3A_56 : i32
      %parallel_loop3A_84 = arith.index_cast %parallel_loop3A_83 : i32 to index
      %parallel_loop3A_85 = tpu.vector_load %arg5[%parallel_loop3A_84] {strides = array<i32>} : memref<5888xi32, #tpu.memory_space<vmem>>, vector<16xi32>,
      %parallel_loop3A_86 = arith.addi %parallel_loop3A_81, %parallel_loop3A_85 : vector<16xi32>
      %parallel_loop3A_87 = arith.constant 2208 : i32
      %parallel_loop3A_88 = arith.addi %parallel_loop3A_87, %parallel_loop3A_56 : i32
      %parallel_loop3A_89 = arith.index_cast %parallel_loop3A_88 : i32 to index
      %parallel_loop3A_90 = tpu.vector_load %arg5[%parallel_loop3A_89] {strides = array<i32>} : memref<5888xi32, #tpu.memory_space<vmem>>, vector<16xi32>,
      %parallel_loop3A_91 = arith.addi %parallel_loop3A_86, %parallel_loop3A_90 : vector<16xi32>
      %parallel_loop3A_92 = arith.constant 2576 : i32
      %parallel_loop3A_93 = arith.addi %parallel_loop3A_92, %parallel_loop3A_56 : i32
      %parallel_loop3A_94 = arith.index_cast %parallel_loop3A_93 : i32 to index
      %parallel_loop3A_95 = tpu.vector_load %arg5[%parallel_loop3A_94] {strides = array<i32>} : memref<5888xi32, #tpu.memory_space<vmem>>, vector<16xi32>,
      %parallel_loop3A_96 = arith.addi %parallel_loop3A_91, %parallel_loop3A_95 : vector<16xi32>
      %parallel_loop3A_97 = arith.constant 2944 : i32
      %parallel_loop3A_98 = arith.addi %parallel_loop3A_97, %parallel_loop3A_56 : i32
      %parallel_loop3A_99 = arith.index_cast %parallel_loop3A_98 : i32 to index
      %parallel_loop3A_100 = tpu.vector_load %arg5[%parallel_loop3A_99] {strides = array<i32>} : memref<5888xi32, #tpu.memory_space<vmem>>, vector<16xi32>,
      %parallel_loop3A_101 = arith.addi %parallel_loop3A_96, %parallel_loop3A_100 : vector<16xi32>
      %parallel_loop3A_102 = arith.constant 3312 : i32
      %parallel_loop3A_103 = arith.addi %parallel_loop3A_102, %parallel_loop3A_56 : i32
      %parallel_loop3A_104 = arith.index_cast %parallel_loop3A_103 : i32 to index
      %parallel_loop3A_105 = tpu.vector_load %arg5[%parallel_loop3A_104] {strides = array<i32>} : memref<5888xi32, #tpu.memory_space<vmem>>, vector<16xi32>,
      %parallel_loop3A_106 = arith.addi %parallel_loop3A_101, %parallel_loop3A_105 : vector<16xi32>
      %parallel_loop3A_107 = arith.constant 3680 : i32
      %parallel_loop3A_108 = arith.addi %parallel_loop3A_107, %parallel_loop3A_56 : i32
      %parallel_loop3A_109 = arith.index_cast %parallel_loop3A_108 : i32 to index
      %parallel_loop3A_110 = tpu.vector_load %arg5[%parallel_loop3A_109] {strides = array<i32>} : memref<5888xi32, #tpu.memory_space<vmem>>, vector<16xi32>,
      %parallel_loop3A_111 = arith.addi %parallel_loop3A_106, %parallel_loop3A_110 : vector<16xi32>
      %parallel_loop3A_112 = arith.constant 4048 : i32
      %parallel_loop3A_113 = arith.addi %parallel_loop3A_112, %parallel_loop3A_56 : i32
      %parallel_loop3A_114 = arith.index_cast %parallel_loop3A_113 : i32 to index
      %parallel_loop3A_115 = tpu.vector_load %arg5[%parallel_loop3A_114] {strides = array<i32>} : memref<5888xi32, #tpu.memory_space<vmem>>, vector<16xi32>,
      %parallel_loop3A_116 = arith.addi %parallel_loop3A_111, %parallel_loop3A_115 : vector<16xi32>
      %parallel_loop3A_117 = arith.constant 4416 : i32
      %parallel_loop3A_118 = arith.addi %parallel_loop3A_117, %parallel_loop3A_56 : i32
      %parallel_loop3A_119 = arith.index_cast %parallel_loop3A_118 : i32 to index
      %parallel_loop3A_120 = tpu.vector_load %arg5[%parallel_loop3A_119] {strides = array<i32>} : memref<5888xi32, #tpu.memory_space<vmem>>, vector<16xi32>,
      %parallel_loop3A_121 = arith.addi %parallel_loop3A_116, %parallel_loop3A_120 : vector<16xi32>
      %parallel_loop3A_122 = arith.constant 4784 : i32
      %parallel_loop3A_123 = arith.addi %parallel_loop3A_122, %parallel_loop3A_56 : i32
      %parallel_loop3A_124 = arith.index_cast %parallel_loop3A_123 : i32 to index
      %parallel_loop3A_125 = tpu.vector_load %arg5[%parallel_loop3A_124] {strides = array<i32>} : memref<5888xi32, #tpu.memory_space<vmem>>, vector<16xi32>,
      %parallel_loop3A_126 = arith.addi %parallel_loop3A_121, %parallel_loop3A_125 : vector<16xi32>
      %parallel_loop3A_127 = arith.constant 5152 : i32
      %parallel_loop3A_128 = arith.addi %parallel_loop3A_127, %parallel_loop3A_56 : i32
      %parallel_loop3A_129 = arith.index_cast %parallel_loop3A_128 : i32 to index
      %parallel_loop3A_130 = tpu.vector_load %arg5[%parallel_loop3A_129] {strides = array<i32>} : memref<5888xi32, #tpu.memory_space<vmem>>, vector<16xi32>,
      %parallel_loop3A_131 = arith.addi %parallel_loop3A_126, %parallel_loop3A_130 : vector<16xi32>
      %parallel_loop3A_132 = arith.constant 5520 : i32
      %parallel_loop3A_133 = arith.addi %parallel_loop3A_132, %parallel_loop3A_56 : i32
      %parallel_loop3A_134 = arith.index_cast %parallel_loop3A_133 : i32 to index
      %parallel_loop3A_135 = tpu.vector_load %arg5[%parallel_loop3A_134] {strides = array<i32>} : memref<5888xi32, #tpu.memory_space<vmem>>, vector<16xi32>,
      %parallel_loop3A_136 = arith.addi %parallel_loop3A_131, %parallel_loop3A_135 : vector<16xi32>
      %parallel_loop3A_137 = arith.index_cast %parallel_loop3A_56 : i32 to index
      %parallel_loop3A_138 = tpu.vector_load %arg6[%parallel_loop3A_137] {strides = array<i32>} : memref<368xi32, #tpu.memory_space<vmem>>, vector<16xi32>,
      tpu.vector_store %arg6[%parallel_loop3A_137], %parallel_loop3A_136 {strides = array<i32>} : memref<368xi32, #tpu.memory_space<vmem>>, vector<16xi32>,
    } {sc.loop_unroll_factor = 2 : i64, sc.parallel_access}
    %dma_start3A_44 = arith.constant 0 : i32
    %dma_start3A_45 = tpu.memref_slice %arg3[%add3A, %dma_start3A_44] : memref<32x368xi32, #tpu.memory_space<hbm>> -> memref<1x368xi32, #tpu.memory_space<hbm>>
    %dma_start3A_46 = tpu.memref_squeeze %dma_start3A_45 : memref<1x368xi32, #tpu.memory_space<hbm>> -> memref<368xi32, #tpu.memory_space<hbm>>
    %dma_start3A_47 = arith.constant 0 : i32
    %dma_start3A_48 = tpu.memref_slice %arg3[%add3A, %dma_start3A_47] : memref<32x368xi32, #tpu.memory_space<hbm>> -> memref<1x368xi32, #tpu.memory_space<hbm>>
    %dma_start3A_49 = tpu.memref_squeeze %dma_start3A_48 : memref<1x368xi32, #tpu.memory_space<hbm>> -> memref<368xi32, #tpu.memory_space<hbm>>
    tpu.enqueue_dma source(%arg6 : memref<368xi32, #tpu.memory_space<vmem>>) target(%dma_start3A_49 : memref<368xi32, #tpu.memory_space<hbm>>) target_semaphore(%arg7 : memref<!tpu.dma_semaphore, #tpu.memory_space<semaphore_mem>>)
    %dma_wait3A_50 = arith.constant 0 : i32
    %dma_wait3A_51 = tpu.memref_slice %arg3[%add3A, %dma_wait3A_50] : memref<32x368xi32, #tpu.memory_space<hbm>> -> memref<1x368xi32, #tpu.memory_space<hbm>>
    %dma_wait3A_52 = tpu.memref_squeeze %dma_wait3A_51 : memref<1x368xi32, #tpu.memory_space<hbm>> -> memref<368xi32, #tpu.memory_space<hbm>>
    %dma_wait3A_53 = arith.constant 0 : i32
    %dma_wait3A_54 = tpu.memref_slice %arg3[%add3A, %dma_wait3A_53] : memref<32x368xi32, #tpu.memory_space<hbm>> -> memref<1x368xi32, #tpu.memory_space<hbm>>
    %dma_wait3A_55 = tpu.memref_squeeze %dma_wait3A_54 : memref<1x368xi32, #tpu.memory_space<hbm>> -> memref<368xi32, #tpu.memory_space<hbm>>
    tpu.wait_dma2 semaphore(%arg7 : memref<!tpu.dma_semaphore, #tpu.memory_space<semaphore_mem>>) src(%arg6 : memref<368xi32, #tpu.memory_space<vmem>>) dst(%dma_wait3A_55 : memref<368xi32, #tpu.memory_space<hbm>>)
    return
  }
}

module attributes {stable_mosaic.version = 14 : i64} {
  func.func @_finalize_body(%arg0: memref<32x19x19xi32, #tpu.memory_space<vmem>>, %arg1: memref<1x1xf32, #tpu.memory_space<vmem>>) attributes {dimension_semantics = [], scalar_prefetch = 0 : i64, scratch_operands = 0 : i64, tpu.core_type = #tpu.core_type<tc>} {
    %get3A = arith.constant 0 : index
    %get3A_0 = arith.constant 0 : index
    %get3A_1 = arith.constant 0 : index
    %get3A_2 = vector.load %arg0[%get3A, %get3A_0, %get3A_1] : memref<32x19x19xi32, #tpu.memory_space<vmem>>, vector<32x19x19xi32>
    %convert_element_type3A = arith.sitofp %get3A_2 : vector<32x19x19xi32> to vector<32x19x19xf32>
    %reduce_sum3A = arith.constant dense<0.000000e+00> : vector<19x19xf32>
    %reduce_sum3A_3 = vector.multi_reduction <add>, %convert_element_type3A, %reduce_sum3A [0] : vector<32x19x19xf32> to vector<19x19xf32>
    %iota3A = tpu.iota {dimensions = array<i32: 0>} : vector<19x19xi32>
    %iota3A_4 = tpu.iota {dimensions = array<i32: 1>} : vector<19x19xi32>
    %eq3A = arith.cmpi eq, %iota3A, %iota3A_4 : vector<19x19xi32>
    %jit3A = arith.constant 0.000000e+00 : f32
    %broadcast_in_dim3A = vector.broadcast %jit3A : f32 to vector<19x19xf32>
    %select_n3A = arith.select %eq3A, %reduce_sum3A_3, %broadcast_in_dim3A : vector<19x19xi1>, vector<19x19xf32>
    %reduce_sum3A_5 = arith.constant dense<0.000000e+00> : vector<19xf32>
    %reduce_sum3A_6 = vector.multi_reduction <add>, %select_n3A, %reduce_sum3A_5 [1] : vector<19x19xf32> to vector<19xf32>
    %reduce_sum3A_7 = arith.constant dense<0.000000e+00> : vector<19xf32>
    %reduce_sum3A_8 = vector.multi_reduction <add>, %reduce_sum3A_3, %reduce_sum3A_7 [1] : vector<19x19xf32> to vector<19xf32>
    %reduce_sum3A_9 = arith.constant dense<0.000000e+00> : vector<19xf32>
    %reduce_sum3A_10 = vector.multi_reduction <add>, %reduce_sum3A_3, %reduce_sum3A_9 [0] : vector<19x19xf32> to vector<19xf32>
    %add3A = arith.addf %reduce_sum3A_8, %reduce_sum3A_10 : vector<19xf32>
    %sub3A = arith.subf %add3A, %reduce_sum3A_6 : vector<19xf32>
    %iota3A_11 = tpu.iota {dimensions = array<i32: 1>} : vector<1x19xi32>
    %iota3A_12 = vector.shape_cast %iota3A_11 : vector<1x19xi32> to vector<19xi32>
    %gt3A = arith.constant 0.000000e+00 : f32
    %gt3A_13 = vector.broadcast %gt3A : f32 to vector<19xf32>
    %gt3A_14 = arith.cmpf ogt, %sub3A, %gt3A_13 : vector<19xf32>
    %ge3A = arith.constant 1 : i32
    %ge3A_15 = vector.broadcast %ge3A : i32 to vector<19xi32>
    %ge3A_16 = arith.cmpi sge, %iota3A_12, %ge3A_15 : vector<19xi32>
    %and3A = arith.andi %gt3A_14, %ge3A_16 : vector<19xi1>
    %gt3A_17 = arith.constant 0.000000e+00 : f32
    %gt3A_18 = vector.broadcast %gt3A_17 : f32 to vector<19xf32>
    %gt3A_19 = arith.cmpf ogt, %sub3A, %gt3A_18 : vector<19xf32>
    %jit3A_20 = arith.constant 1.000000e+00 : f32
    %broadcast_in_dim3A_21 = vector.broadcast %jit3A_20 : f32 to vector<19xf32>
    %select_n3A_22 = arith.select %gt3A_19, %sub3A, %broadcast_in_dim3A_21 : vector<19xi1>, vector<19xf32>
    %div3A = arith.divf %reduce_sum3A_6, %select_n3A_22 : vector<19xf32>
    %jit3A_23 = arith.constant 0.000000e+00 : f32
    %broadcast_in_dim3A_24 = vector.broadcast %jit3A_23 : f32 to vector<19xf32>
    %select_n3A_25 = arith.select %and3A, %div3A, %broadcast_in_dim3A_24 : vector<19xi1>, vector<19xf32>
    %convert_element_type3A_26 = arith.extui %and3A : vector<19xi1> to vector<19xi32>
    %convert_element_type3A_27 = arith.sitofp %convert_element_type3A_26 : vector<19xi32> to vector<19xf32>
    %reduce_sum3A_28 = vector.shape_cast %convert_element_type3A_27 : vector<19xf32> to vector<1x19xf32>
    %reduce_sum3A_29 = arith.constant dense<0.000000e+00> : vector<1xf32>
    %reduce_sum3A_30 = vector.multi_reduction <add>, %reduce_sum3A_28, %reduce_sum3A_29 [1] : vector<1x19xf32> to vector<1xf32>
    %reduce_sum3A_31 = vector.shape_cast %reduce_sum3A_30 : vector<1xf32> to vector<1x1xf32>
    %reduce_sum3A_32 = vector.extract %reduce_sum3A_31[0, 0] : f32 from vector<1x1xf32>
    %reduce_sum3A_33 = vector.shape_cast %select_n3A_25 : vector<19xf32> to vector<1x19xf32>
    %reduce_sum3A_34 = arith.constant dense<0.000000e+00> : vector<1xf32>
    %reduce_sum3A_35 = vector.multi_reduction <add>, %reduce_sum3A_33, %reduce_sum3A_34 [1] : vector<1x19xf32> to vector<1xf32>
    %reduce_sum3A_36 = vector.shape_cast %reduce_sum3A_35 : vector<1xf32> to vector<1x1xf32>
    %reduce_sum3A_37 = vector.extract %reduce_sum3A_36[0, 0] : f32 from vector<1x1xf32>
    %div3A_38 = arith.divf %reduce_sum3A_37, %reduce_sum3A_32 : f32
    %sub3A_39 = arith.constant 1.000000e+00 : f32
    %sub3A_40 = arith.subf %sub3A_39, %div3A_38 : f32
    %reshape3A = vector.broadcast %sub3A_40 : f32 to vector<1x1xf32>
    %swap3A = arith.constant 0 : index
    %swap3A_41 = arith.constant 0 : index
    %swap3A_42 = vector.load %arg1[%swap3A, %swap3A_41] : memref<1x1xf32, #tpu.memory_space<vmem>>, vector<1x1xf32>
    tpu.vector_store %arg1[%swap3A, %swap3A_41], %reshape3A {strides = array<i32>} : memref<1x1xf32, #tpu.memory_space<vmem>>, vector<1x1xf32>,
    return
  }
}

module attributes {stable_mosaic.version = 14 : i64} {
  func.func @_argmax_body(%arg0: i32, %arg1: i32, %arg2: memref<1x19x128x512xf32, #tpu.memory_space<vmem>>, %arg3: memref<1x128x512xi32, #tpu.memory_space<vmem>>, %arg4: memref<1x128x512xi32, #tpu.memory_space<vmem>>) attributes {dimension_semantics = [#tpu.dimension_semantics<arbitrary>, #tpu.dimension_semantics<arbitrary>], iteration_bounds = array<i64: 4, 4>, scalar_prefetch = 0 : i64, scratch_operands = 0 : i64, tpu.core_type = #tpu.core_type<tc>, window_params = [{transform_indices = @transform_0, window_bounds = array<i64: 1, 19, 128, 512>}, {transform_indices = @transform_1, window_bounds = array<i64: 1, 128, 512>}, {transform_indices = @transform_2, window_bounds = array<i64: 1, 128, 512>}]} {
    %get3A = arith.constant 0 : index
    %get3A_0 = arith.constant 0 : index
    %get3A_1 = arith.constant 0 : index
    %get3A_2 = arith.constant 0 : index
    %get3A_3 = vector.load %arg2[%get3A, %get3A_0, %get3A_1, %get3A_2] : memref<1x19x128x512xf32, #tpu.memory_space<vmem>>, vector<1x19x128x512xf32>
    %get3A_4 = vector.shape_cast %get3A_3 : vector<1x19x128x512xf32> to vector<19x128x512xf32>
    %slice3A = vector.extract_strided_slice %get3A_4 {offsets = [0, 0, 0], sizes = [1, 128, 512], strides = [1, 1, 1]} : vector<19x128x512xf32> to vector<1x128x512xf32>
    %squeeze3A = vector.shape_cast %slice3A : vector<1x128x512xf32> to vector<128x512xf32>
    %broadcast_in_dim3A = arith.constant 0 : i32
    %broadcast_in_dim3A_5 = vector.broadcast %broadcast_in_dim3A : i32 to vector<128x512xi32>
    %slice3A_6 = vector.extract_strided_slice %get3A_4 {offsets = [1, 0, 0], sizes = [1, 128, 512], strides = [1, 1, 1]} : vector<19x128x512xf32> to vector<1x128x512xf32>
    %squeeze3A_7 = vector.shape_cast %slice3A_6 : vector<1x128x512xf32> to vector<128x512xf32>
    %gt3A = arith.cmpf ogt, %squeeze3A_7, %squeeze3A : vector<128x512xf32>
    %select_n3A = arith.select %gt3A, %squeeze3A_7, %squeeze3A : vector<128x512xi1>, vector<128x512xf32>
    %jit3A = arith.constant 1 : i32
    %broadcast_in_dim3A_8 = vector.broadcast %jit3A : i32 to vector<128x512xi32>
    %select_n3A_9 = arith.select %gt3A, %broadcast_in_dim3A_8, %broadcast_in_dim3A_5 : vector<128x512xi1>, vector<128x512xi32>
    %slice3A_10 = vector.extract_strided_slice %get3A_4 {offsets = [2, 0, 0], sizes = [1, 128, 512], strides = [1, 1, 1]} : vector<19x128x512xf32> to vector<1x128x512xf32>
    %squeeze3A_11 = vector.shape_cast %slice3A_10 : vector<1x128x512xf32> to vector<128x512xf32>
    %gt3A_12 = arith.cmpf ogt, %squeeze3A_11, %select_n3A : vector<128x512xf32>
    %select_n3A_13 = arith.select %gt3A_12, %squeeze3A_11, %select_n3A : vector<128x512xi1>, vector<128x512xf32>
    %jit3A_14 = arith.constant 2 : i32
    %broadcast_in_dim3A_15 = vector.broadcast %jit3A_14 : i32 to vector<128x512xi32>
    %select_n3A_16 = arith.select %gt3A_12, %broadcast_in_dim3A_15, %select_n3A_9 : vector<128x512xi1>, vector<128x512xi32>
    %slice3A_17 = vector.extract_strided_slice %get3A_4 {offsets = [3, 0, 0], sizes = [1, 128, 512], strides = [1, 1, 1]} : vector<19x128x512xf32> to vector<1x128x512xf32>
    %squeeze3A_18 = vector.shape_cast %slice3A_17 : vector<1x128x512xf32> to vector<128x512xf32>
    %gt3A_19 = arith.cmpf ogt, %squeeze3A_18, %select_n3A_13 : vector<128x512xf32>
    %select_n3A_20 = arith.select %gt3A_19, %squeeze3A_18, %select_n3A_13 : vector<128x512xi1>, vector<128x512xf32>
    %jit3A_21 = arith.constant 3 : i32
    %broadcast_in_dim3A_22 = vector.broadcast %jit3A_21 : i32 to vector<128x512xi32>
    %select_n3A_23 = arith.select %gt3A_19, %broadcast_in_dim3A_22, %select_n3A_16 : vector<128x512xi1>, vector<128x512xi32>
    %slice3A_24 = vector.extract_strided_slice %get3A_4 {offsets = [4, 0, 0], sizes = [1, 128, 512], strides = [1, 1, 1]} : vector<19x128x512xf32> to vector<1x128x512xf32>
    %squeeze3A_25 = vector.shape_cast %slice3A_24 : vector<1x128x512xf32> to vector<128x512xf32>
    %gt3A_26 = arith.cmpf ogt, %squeeze3A_25, %select_n3A_20 : vector<128x512xf32>
    %select_n3A_27 = arith.select %gt3A_26, %squeeze3A_25, %select_n3A_20 : vector<128x512xi1>, vector<128x512xf32>
    %jit3A_28 = arith.constant 4 : i32
    %broadcast_in_dim3A_29 = vector.broadcast %jit3A_28 : i32 to vector<128x512xi32>
    %select_n3A_30 = arith.select %gt3A_26, %broadcast_in_dim3A_29, %select_n3A_23 : vector<128x512xi1>, vector<128x512xi32>
    %slice3A_31 = vector.extract_strided_slice %get3A_4 {offsets = [5, 0, 0], sizes = [1, 128, 512], strides = [1, 1, 1]} : vector<19x128x512xf32> to vector<1x128x512xf32>
    %squeeze3A_32 = vector.shape_cast %slice3A_31 : vector<1x128x512xf32> to vector<128x512xf32>
    %gt3A_33 = arith.cmpf ogt, %squeeze3A_32, %select_n3A_27 : vector<128x512xf32>
    %select_n3A_34 = arith.select %gt3A_33, %squeeze3A_32, %select_n3A_27 : vector<128x512xi1>, vector<128x512xf32>
    %jit3A_35 = arith.constant 5 : i32
    %broadcast_in_dim3A_36 = vector.broadcast %jit3A_35 : i32 to vector<128x512xi32>
    %select_n3A_37 = arith.select %gt3A_33, %broadcast_in_dim3A_36, %select_n3A_30 : vector<128x512xi1>, vector<128x512xi32>
    %slice3A_38 = vector.extract_strided_slice %get3A_4 {offsets = [6, 0, 0], sizes = [1, 128, 512], strides = [1, 1, 1]} : vector<19x128x512xf32> to vector<1x128x512xf32>
    %squeeze3A_39 = vector.shape_cast %slice3A_38 : vector<1x128x512xf32> to vector<128x512xf32>
    %gt3A_40 = arith.cmpf ogt, %squeeze3A_39, %select_n3A_34 : vector<128x512xf32>
    %select_n3A_41 = arith.select %gt3A_40, %squeeze3A_39, %select_n3A_34 : vector<128x512xi1>, vector<128x512xf32>
    %jit3A_42 = arith.constant 6 : i32
    %broadcast_in_dim3A_43 = vector.broadcast %jit3A_42 : i32 to vector<128x512xi32>
    %select_n3A_44 = arith.select %gt3A_40, %broadcast_in_dim3A_43, %select_n3A_37 : vector<128x512xi1>, vector<128x512xi32>
    %slice3A_45 = vector.extract_strided_slice %get3A_4 {offsets = [7, 0, 0], sizes = [1, 128, 512], strides = [1, 1, 1]} : vector<19x128x512xf32> to vector<1x128x512xf32>
    %squeeze3A_46 = vector.shape_cast %slice3A_45 : vector<1x128x512xf32> to vector<128x512xf32>
    %gt3A_47 = arith.cmpf ogt, %squeeze3A_46, %select_n3A_41 : vector<128x512xf32>
    %select_n3A_48 = arith.select %gt3A_47, %squeeze3A_46, %select_n3A_41 : vector<128x512xi1>, vector<128x512xf32>
    %jit3A_49 = arith.constant 7 : i32
    %broadcast_in_dim3A_50 = vector.broadcast %jit3A_49 : i32 to vector<128x512xi32>
    %select_n3A_51 = arith.select %gt3A_47, %broadcast_in_dim3A_50, %select_n3A_44 : vector<128x512xi1>, vector<128x512xi32>
    %slice3A_52 = vector.extract_strided_slice %get3A_4 {offsets = [8, 0, 0], sizes = [1, 128, 512], strides = [1, 1, 1]} : vector<19x128x512xf32> to vector<1x128x512xf32>
    %squeeze3A_53 = vector.shape_cast %slice3A_52 : vector<1x128x512xf32> to vector<128x512xf32>
    %gt3A_54 = arith.cmpf ogt, %squeeze3A_53, %select_n3A_48 : vector<128x512xf32>
    %select_n3A_55 = arith.select %gt3A_54, %squeeze3A_53, %select_n3A_48 : vector<128x512xi1>, vector<128x512xf32>
    %jit3A_56 = arith.constant 8 : i32
    %broadcast_in_dim3A_57 = vector.broadcast %jit3A_56 : i32 to vector<128x512xi32>
    %select_n3A_58 = arith.select %gt3A_54, %broadcast_in_dim3A_57, %select_n3A_51 : vector<128x512xi1>, vector<128x512xi32>
    %slice3A_59 = vector.extract_strided_slice %get3A_4 {offsets = [9, 0, 0], sizes = [1, 128, 512], strides = [1, 1, 1]} : vector<19x128x512xf32> to vector<1x128x512xf32>
    %squeeze3A_60 = vector.shape_cast %slice3A_59 : vector<1x128x512xf32> to vector<128x512xf32>
    %gt3A_61 = arith.cmpf ogt, %squeeze3A_60, %select_n3A_55 : vector<128x512xf32>
    %select_n3A_62 = arith.select %gt3A_61, %squeeze3A_60, %select_n3A_55 : vector<128x512xi1>, vector<128x512xf32>
    %jit3A_63 = arith.constant 9 : i32
    %broadcast_in_dim3A_64 = vector.broadcast %jit3A_63 : i32 to vector<128x512xi32>
    %select_n3A_65 = arith.select %gt3A_61, %broadcast_in_dim3A_64, %select_n3A_58 : vector<128x512xi1>, vector<128x512xi32>
    %slice3A_66 = vector.extract_strided_slice %get3A_4 {offsets = [10, 0, 0], sizes = [1, 128, 512], strides = [1, 1, 1]} : vector<19x128x512xf32> to vector<1x128x512xf32>
    %squeeze3A_67 = vector.shape_cast %slice3A_66 : vector<1x128x512xf32> to vector<128x512xf32>
    %gt3A_68 = arith.cmpf ogt, %squeeze3A_67, %select_n3A_62 : vector<128x512xf32>
    %select_n3A_69 = arith.select %gt3A_68, %squeeze3A_67, %select_n3A_62 : vector<128x512xi1>, vector<128x512xf32>
    %jit3A_70 = arith.constant 10 : i32
    %broadcast_in_dim3A_71 = vector.broadcast %jit3A_70 : i32 to vector<128x512xi32>
    %select_n3A_72 = arith.select %gt3A_68, %broadcast_in_dim3A_71, %select_n3A_65 : vector<128x512xi1>, vector<128x512xi32>
    %slice3A_73 = vector.extract_strided_slice %get3A_4 {offsets = [11, 0, 0], sizes = [1, 128, 512], strides = [1, 1, 1]} : vector<19x128x512xf32> to vector<1x128x512xf32>
    %squeeze3A_74 = vector.shape_cast %slice3A_73 : vector<1x128x512xf32> to vector<128x512xf32>
    %gt3A_75 = arith.cmpf ogt, %squeeze3A_74, %select_n3A_69 : vector<128x512xf32>
    %select_n3A_76 = arith.select %gt3A_75, %squeeze3A_74, %select_n3A_69 : vector<128x512xi1>, vector<128x512xf32>
    %jit3A_77 = arith.constant 11 : i32
    %broadcast_in_dim3A_78 = vector.broadcast %jit3A_77 : i32 to vector<128x512xi32>
    %select_n3A_79 = arith.select %gt3A_75, %broadcast_in_dim3A_78, %select_n3A_72 : vector<128x512xi1>, vector<128x512xi32>
    %slice3A_80 = vector.extract_strided_slice %get3A_4 {offsets = [12, 0, 0], sizes = [1, 128, 512], strides = [1, 1, 1]} : vector<19x128x512xf32> to vector<1x128x512xf32>
    %squeeze3A_81 = vector.shape_cast %slice3A_80 : vector<1x128x512xf32> to vector<128x512xf32>
    %gt3A_82 = arith.cmpf ogt, %squeeze3A_81, %select_n3A_76 : vector<128x512xf32>
    %select_n3A_83 = arith.select %gt3A_82, %squeeze3A_81, %select_n3A_76 : vector<128x512xi1>, vector<128x512xf32>
    %jit3A_84 = arith.constant 12 : i32
    %broadcast_in_dim3A_85 = vector.broadcast %jit3A_84 : i32 to vector<128x512xi32>
    %select_n3A_86 = arith.select %gt3A_82, %broadcast_in_dim3A_85, %select_n3A_79 : vector<128x512xi1>, vector<128x512xi32>
    %slice3A_87 = vector.extract_strided_slice %get3A_4 {offsets = [13, 0, 0], sizes = [1, 128, 512], strides = [1, 1, 1]} : vector<19x128x512xf32> to vector<1x128x512xf32>
    %squeeze3A_88 = vector.shape_cast %slice3A_87 : vector<1x128x512xf32> to vector<128x512xf32>
    %gt3A_89 = arith.cmpf ogt, %squeeze3A_88, %select_n3A_83 : vector<128x512xf32>
    %select_n3A_90 = arith.select %gt3A_89, %squeeze3A_88, %select_n3A_83 : vector<128x512xi1>, vector<128x512xf32>
    %jit3A_91 = arith.constant 13 : i32
    %broadcast_in_dim3A_92 = vector.broadcast %jit3A_91 : i32 to vector<128x512xi32>
    %select_n3A_93 = arith.select %gt3A_89, %broadcast_in_dim3A_92, %select_n3A_86 : vector<128x512xi1>, vector<128x512xi32>
    %slice3A_94 = vector.extract_strided_slice %get3A_4 {offsets = [14, 0, 0], sizes = [1, 128, 512], strides = [1, 1, 1]} : vector<19x128x512xf32> to vector<1x128x512xf32>
    %squeeze3A_95 = vector.shape_cast %slice3A_94 : vector<1x128x512xf32> to vector<128x512xf32>
    %gt3A_96 = arith.cmpf ogt, %squeeze3A_95, %select_n3A_90 : vector<128x512xf32>
    %select_n3A_97 = arith.select %gt3A_96, %squeeze3A_95, %select_n3A_90 : vector<128x512xi1>, vector<128x512xf32>
    %jit3A_98 = arith.constant 14 : i32
    %broadcast_in_dim3A_99 = vector.broadcast %jit3A_98 : i32 to vector<128x512xi32>
    %select_n3A_100 = arith.select %gt3A_96, %broadcast_in_dim3A_99, %select_n3A_93 : vector<128x512xi1>, vector<128x512xi32>
    %slice3A_101 = vector.extract_strided_slice %get3A_4 {offsets = [15, 0, 0], sizes = [1, 128, 512], strides = [1, 1, 1]} : vector<19x128x512xf32> to vector<1x128x512xf32>
    %squeeze3A_102 = vector.shape_cast %slice3A_101 : vector<1x128x512xf32> to vector<128x512xf32>
    %gt3A_103 = arith.cmpf ogt, %squeeze3A_102, %select_n3A_97 : vector<128x512xf32>
    %select_n3A_104 = arith.select %gt3A_103, %squeeze3A_102, %select_n3A_97 : vector<128x512xi1>, vector<128x512xf32>
    %jit3A_105 = arith.constant 15 : i32
    %broadcast_in_dim3A_106 = vector.broadcast %jit3A_105 : i32 to vector<128x512xi32>
    %select_n3A_107 = arith.select %gt3A_103, %broadcast_in_dim3A_106, %select_n3A_100 : vector<128x512xi1>, vector<128x512xi32>
    %slice3A_108 = vector.extract_strided_slice %get3A_4 {offsets = [16, 0, 0], sizes = [1, 128, 512], strides = [1, 1, 1]} : vector<19x128x512xf32> to vector<1x128x512xf32>
    %squeeze3A_109 = vector.shape_cast %slice3A_108 : vector<1x128x512xf32> to vector<128x512xf32>
    %gt3A_110 = arith.cmpf ogt, %squeeze3A_109, %select_n3A_104 : vector<128x512xf32>
    %select_n3A_111 = arith.select %gt3A_110, %squeeze3A_109, %select_n3A_104 : vector<128x512xi1>, vector<128x512xf32>
    %jit3A_112 = arith.constant 16 : i32
    %broadcast_in_dim3A_113 = vector.broadcast %jit3A_112 : i32 to vector<128x512xi32>
    %select_n3A_114 = arith.select %gt3A_110, %broadcast_in_dim3A_113, %select_n3A_107 : vector<128x512xi1>, vector<128x512xi32>
    %slice3A_115 = vector.extract_strided_slice %get3A_4 {offsets = [17, 0, 0], sizes = [1, 128, 512], strides = [1, 1, 1]} : vector<19x128x512xf32> to vector<1x128x512xf32>
    %squeeze3A_116 = vector.shape_cast %slice3A_115 : vector<1x128x512xf32> to vector<128x512xf32>
    %gt3A_117 = arith.cmpf ogt, %squeeze3A_116, %select_n3A_111 : vector<128x512xf32>
    %select_n3A_118 = arith.select %gt3A_117, %squeeze3A_116, %select_n3A_111 : vector<128x512xi1>, vector<128x512xf32>
    %jit3A_119 = arith.constant 17 : i32
    %broadcast_in_dim3A_120 = vector.broadcast %jit3A_119 : i32 to vector<128x512xi32>
    %select_n3A_121 = arith.select %gt3A_117, %broadcast_in_dim3A_120, %select_n3A_114 : vector<128x512xi1>, vector<128x512xi32>
    %slice3A_122 = vector.extract_strided_slice %get3A_4 {offsets = [18, 0, 0], sizes = [1, 128, 512], strides = [1, 1, 1]} : vector<19x128x512xf32> to vector<1x128x512xf32>
    %squeeze3A_123 = vector.shape_cast %slice3A_122 : vector<1x128x512xf32> to vector<128x512xf32>
    %gt3A_124 = arith.cmpf ogt, %squeeze3A_123, %select_n3A_118 : vector<128x512xf32>
    %jit3A_125 = arith.constant 18 : i32
    %broadcast_in_dim3A_126 = vector.broadcast %jit3A_125 : i32 to vector<128x512xi32>
    %select_n3A_127 = arith.select %gt3A_124, %broadcast_in_dim3A_126, %select_n3A_121 : vector<128x512xi1>, vector<128x512xi32>
    %get3A_128 = arith.constant 0 : index
    %get3A_129 = arith.constant 0 : index
    %get3A_130 = arith.constant 0 : index
    %get3A_131 = vector.load %arg3[%get3A_128, %get3A_129, %get3A_130] : memref<1x128x512xi32, #tpu.memory_space<vmem>>, vector<1x128x512xi32>
    %get3A_132 = vector.shape_cast %get3A_131 : vector<1x128x512xi32> to vector<128x512xi32>
    %mul3A = arith.constant 19 : i32
    %mul3A_133 = vector.broadcast %mul3A : i32 to vector<128x512xi32>
    %mul3A_134 = arith.muli %get3A_132, %mul3A_133 : vector<128x512xi32>
    %add3A = arith.addi %mul3A_134, %select_n3A_127 : vector<128x512xi32>
    %swap3A = arith.constant 0 : index
    %swap3A_135 = arith.constant 0 : index
    %swap3A_136 = arith.constant 0 : index
    %swap3A_137 = vector.load %arg4[%swap3A, %swap3A_135, %swap3A_136] : memref<1x128x512xi32, #tpu.memory_space<vmem>>, vector<1x128x512xi32>
    %swap3A_138 = vector.shape_cast %swap3A_137 : vector<1x128x512xi32> to vector<128x512xi32>
    %swap3A_139 = vector.shape_cast %add3A : vector<128x512xi32> to vector<1x128x512xi32>
    tpu.vector_store %arg4[%swap3A, %swap3A_135, %swap3A_136], %swap3A_139 {strides = array<i32>} : memref<1x128x512xi32, #tpu.memory_space<vmem>>, vector<1x128x512xi32>,
    return
  }
  func.func @transform_0(%arg0: i32, %arg1: i32) -> (i32, i32, i32, i32) {
    %c0_i32 = arith.constant 0 : i32
    %c0_i32_0 = arith.constant 0 : i32
    %c0_i32_1 = arith.constant 0 : i32
    return %arg0, %c0_i32, %arg1, %c0_i32_0 : i32, i32, i32, i32
  }
  func.func @transform_1(%arg0: i32, %arg1: i32) -> (i32, i32, i32) {
    %c0_i32 = arith.constant 0 : i32
    %c0_i32_0 = arith.constant 0 : i32
    return %arg0, %arg1, %c0_i32 : i32, i32, i32
  }
  func.func @transform_2(%arg0: i32, %arg1: i32) -> (i32, i32, i32) {
    %c0_i32 = arith.constant 0 : i32
    %c0_i32_0 = arith.constant 0 : i32
    return %arg0, %arg1, %c0_i32 : i32, i32, i32
  }
}

</mosaic_0001>

<sc_bundles>
// kernel: kernel.5.cloned.1.call-start
scs
__scs_entry_jumppad:
0x0: {  	(pc) =	sbr.rel $0x88, $3  }
0x1: {  	(tag) =	ssettag $0x0;
	lr =	simm.s32 $0x1  }
0x2: {  	[smem:$0x3F9F] =	sst lr;
	_ =	strace $0xD0000000  }
0x3: {  	_ = 	snop  }
0x4: {  	_ = 	snop  }
0x5: {  	_ = 	snop  }
0x6: {  	_ = 	snop  }
0x7: {  	_ = 	snop  }
__scs_overlays_trampoline_lowered:
0x8: {  	[smem:$0x3FAE] =	sst s0  }
0x9: {  	[smem:$0x3FAF] =	sst s1  }
0xa: {  	[smem:$0x3FB0] =	sst s2  }
0xb: {  	[smem:$0x3FB1] =	sst s3  }
0xc: {  	[smem:$0x3FB2] =	sst s4  }
0xd: {  	[smem:$0x3FB3] =	sst s5  }
0xe: {  	[smem:$0x3FB4] =	sst s6  }
0xf: {  	[smem:$0x3FB5] =	sst s7  }
0x10: {  	[smem:$0x3FB6] =	sst s8  }
0x11: {  	[smem:$0x3FB7] =	sst s9;
	s0 =	simm.s32 @!p0 $0x0  }
0x12: {  	s1 =	sld [smem:$0x3F9D];
	s0 =	simm.s32 @p0 $0x1  }
0x13: {  	[smem:$0x3FB8] =	sst s0;
	s0 =	simm.s32 @!p1 $0x0  }
0x14: {  	s2 =	sld [smem:$0x3F9C];
	s0 =	simm.s32 @p1 $0x1  }
0x15: {  	[smem:$0x3FB9] =	sst s0;
	s0 =	simm.s32 @!p2 $0x0  }
0x16: {  	s3 =	sld [smem:$0x3FDB];
	s0 =	simm.s32 @p2 $0x1  }
0x17: {  	s4 =	simm.s32 $0x1BF5;
	[smem:$0x3FBB] =	sst s0  }
0x18: {  	s0 =	sld [smem:$0x3F9E];
	_ =	swait.ge [sflag:s4], $0x0  }
0x19: {  	s7 =	sld [smem:$0x3F9F]  }
0x1a: {  	s8 =	sadd.s32 $0xFFFFE003, lr  }
0x1b: {  	s9 =	sadd.s32 $0xFFFFFEF7, lr;
	s5 =	simm.s32 $0xFFFFFFFF;
	p2 =	slt.u32 s8, $0xFFFFF086  }
0x1c: {  	p1 =	slt.u32 s9, $0xF7A;
	s5 =	simm.s32 @!p2 $0x0  }
0x1d: {  	s5 =	simm.s32 @p1 $0x1;
	p0 =	seq.s32 s7, s2  }
0x1e: {  	s7 =	smul.u32 @!p0 $0xF7A, s2;
	p2 =	seq.s32 @!p0 s5, $0x0  }
0x1f: {  	s9 =	smul.u32 $0xF7A, s1;
	s8 =	simm.s32 @!p0 $0x1BF5;
	p2 =	por !p2, p0  }
0x20: {  	[sflag:s8] =	ssyncset.s32 @!p0 $0xFFFFF086;
	s6 =	sadd.s32 @!p0 s3, s7;
	s7 =	simm.s32 @!p0 $0x108  }
0x21: {  	s3 =	sadd.s32 s3, s9;
	s6 =	sadd.s32 @!p0 $0x88, s6;
	s7 =	simm.s32 @p2 $0x1082  }
0x22: {  	[simem:s7], [sflag:s8] =	dma.local @!p0 [hbm:s6], $0xF7A  }
0x23: {  	s9 =	sor.u32 $0xD0000000, s2;
	s6 =	simm.s32 $0x108;
	_ =	swait.ge @!p0 [sflag:s8], $0x0  }
0x24: {  	s3 =	sadd.s32 $0x88, s3;
	s6 =	simm.s32 @!p1 $0x1082;
	[sflag:s4] =	ssyncset.s32 $0xFFFFF086  }
0x25: {  	[simem:s6], [sflag:s4] =	dma.local [hbm:s3], $0xF7A  }
0x26: {  	[smem:$0x3F9F] =	sst s1;
	(tag) =	ssettag s2;
	_ =	strace s9  }
0x27: {  	s1 =	sld [smem:$0x3FAF]  }
0x28: {  	s2 =	sld [smem:$0x3FB0]  }
0x29: {  	s4 =	sld [smem:$0x3FB2]  }
0x2a: {  	p0 =	seq.s32 s5, $0x0;
	s5 =	sld [smem:$0x3FB3]  }
0x2b: {  	s6 =	sld [smem:$0x3FB4]  }
0x2c: {  	s7 =	sld [smem:$0x3FB5]  }
0x2d: {  	s3 =	simm.s32 $0x108;
	s8 =	sld [smem:$0x3FB6]  }
0x2e: {  	s3 =	simm.s32 @!p0 $0x1082;
	s9 =	sld [smem:$0x3FB7]  }
0x2f: {  	lr =	sadd.s32 s0, s3;
	s0 =	sld [smem:$0x3FAE]  }
0x30: {  	s3 =	sld [smem:$0x3FB1]  }
0x31: {  	[smem:$0x3FBA] =	sst s10  }
0x32: {  	s10 =	sld [smem:$0x3FB8];
	_ =	sdelay $0x3  }
0x33: {  	p0 =	seq.s32 s10, $0x1;
	s10 =	sld [smem:$0x3FBA];
	_ =	sdelay $0x3  }
0x34: {  	[smem:$0x3FBA] =	sst s10  }
0x35: {  	s10 =	sld [smem:$0x3FB9];
	_ =	sdelay $0x3  }
0x36: {  	p1 =	seq.s32 s10, $0x1;
	s10 =	sld [smem:$0x3FBA];
	_ =	sdelay $0x3  }
0x37: {  	[smem:$0x3FBA] =	sst s10  }
0x38: {  	s10 =	sld [smem:$0x3FBB]  }
0x39: {  	_ = 	snop;
	(pc) =	sbr.ind lr, $3  }
0x3a: {  	_ = 	snop  }
0x3b: {  	_ = 	snop  }
0x3c: {  	p2 =	seq.s32 s10, $0x1;
	s10 =	sld [smem:$0x3FBA]  }
0x3d: {  	_ =	shalt  }
0x3e: {  	_ =	shalt  }
0x3f: {  	_ =	shalt  }
0x40: {  	_ =	shalt  }
0x41: {  	_ =	shalt  }
0x42: {  	_ =	shalt  }
0x43: {  	_ =	shalt  }
0x44: {  	_ =	shalt  }
0x45: {  	_ =	shalt  }
0x46: {  	_ =	shalt  }
0x47: {  	_ =	shalt  }
0x48: {  	_ =	shalt  }
0x49: {  	_ =	shalt  }
0x4a: {  	_ =	shalt  }
0x4b: {  	_ =	shalt  }
0x4c: {  	_ =	shalt  }
0x4d: {  	_ =	shalt  }
0x4e: {  	_ =	shalt  }
0x4f: {  	_ =	shalt  }
0x50: {  	_ =	shalt  }
0x51: {  	_ =	shalt  }
0x52: {  	_ =	shalt  }
0x53: {  	_ =	shalt  }
0x54: {  	_ =	shalt  }
0x55: {  	_ =	shalt  }
0x56: {  	_ =	shalt  }
0x57: {  	_ =	shalt  }
0x58: {  	_ =	shalt  }
0x59: {  	_ =	shalt  }
0x5a: {  	_ =	shalt  }
0x5b: {  	_ =	shalt  }
0x5c: {  	_ =	shalt  }
0x5d: {  	_ =	shalt  }
0x5e: {  	_ =	shalt  }
0x5f: {  	_ =	shalt  }
0x60: {  	_ =	shalt  }
0x61: {  	_ =	shalt  }
0x62: {  	_ =	shalt  }
0x63: {  	_ =	shalt  }
0x64: {  	_ =	shalt  }
0x65: {  	_ =	shalt  }
0x66: {  	_ =	shalt  }
0x67: {  	_ =	shalt  }
0x68: {  	_ =	shalt  }
0x69: {  	_ =	shalt  }
0x6a: {  	_ =	shalt  }
0x6b: {  	_ =	shalt  }
0x6c: {  	_ =	shalt  }
0x6d: {  	_ =	shalt  }
0x6e: {  	_ =	shalt  }
0x6f: {  	_ =	shalt  }
0x70: {  	_ =	shalt  }
0x71: {  	_ =	shalt  }
0x72: {  	_ =	shalt  }
0x73: {  	_ =	shalt  }
0x74: {  	_ =	shalt  }
0x75: {  	_ =	shalt  }
0x76: {  	_ =	shalt  }
0x77: {  	_ =	shalt  }
0x78: {  	_ =	shalt  }
0x79: {  	_ =	shalt  }
0x7a: {  	_ =	shalt  }
0x7b: {  	_ =	shalt  }
0x7c: {  	_ =	shalt  }
0x7d: {  	_ =	shalt  }
0x7e: {  	_ =	shalt  }
0x7f: {  	_ =	shalt  }
0x80: {  	_ =	shalt  }
0x81: {  	_ =	shalt  }
0x82: {  	_ =	shalt  }
0x83: {  	_ =	shalt  }
0x84: {  	_ =	shalt  }
0x85: {  	_ =	shalt  }
0x86: {  	_ =	shalt  }
0x87: {  	_ =	shalt  }
.Lfunc_end0:
.L_simem_size_0:
called_computation_lowered:
.L_overlay_start_0:
0x88: {  	s2 =	sld [smem:$0x3FD9]  }
0x89: {  	s3 =	sld [smem:$0x3FFE];
	_ =	sdelay $0x1  }
0x8a: {  	s1 =	srdreg.scid  }
0x8b: {  	s0 =	sand.u32 $0x1, s1  }
0x8c: {  	s16 =	sshll.u32 s0, $0xA;
	s2 =	sadd.s32 s3, s2  }
0x8d: {  	s2 =	sadd.s32 s2, s16  }
0x8e: {  	[smem:$0x3FC6] =	sst s2  }
0x8f: {  	_ = 	snop  }
0x90: {  	(tm) =	ssettm $0x1  }
0x91: {  	s17 =	sld [smem:$0x3FFB];
	_ =	sdelay $0x3  }
0x92: {  	_ =	strace s17  }
0x93: {  	s2 =	sld [smem:$0x3FFC];
	_ =	sdelay $0x3  }
0x94: {  	_ =	strace s2  }
0x95: {  	s2 =	sld [smem:$0x3FFD];
	_ =	sdelay $0x3  }
0x96: {  	_ =	strace s2  }
0x97: {  	_ =	strace $0x8FFFFFFF  }
0x98: {  	s18 =	sld [smem:$0x3FDB];
	_ =	sdelay $0x1  }
0x99: {  	s19 =	simm.s32 $_scs_section_size  }
0x9a: {  	s4 =	simm.s32 $_size__tile_overlayer_lowered;
	s5 =	simm.s32 $_tile_overlayer_lowered  }
0x9b: {  	s22 =	simm.s32 $0x1BFF;
	s21 =	sshll.u32 s5, $0x1;
	s2 =	sadd.s32 s19, s18  }
0x9c: {  	s6 =	simm.s32 $0x0;
	s20 =	sshll.u32 s4, $0x1;
	s4 =	sadd.s32 s21, s2  }
0x9d: {  	[timem:s6], [sflag:s22] =	dma.local [hbm:s4], s20  }
0x9e: {  	_ =	swait.ge [sflag:s22], s20  }
0x9f: {  	s3 =	ssub.s32 $0x0, s20;
	[sflag:s22] =	ssyncset.done $0x0  }
0xa0: {  	[sflag:s22] =	ssyncadd.s32 s3;
	_ =	sdelay $0x1  }
0xa1: {  	s23 =	simm.s32 $0x1B8B  }
0xa2: {  	_ =	swait.ge [sflag:s23], $0x1  }
0xa3: {  	[sflag:s23] =	ssyncset.done $0x0  }
0xa4: {  	s25 =	simm.s32 $0x1B8E;
	s24 =	sld [smem:$0x3FFE];
	[sflag:s23] =	ssyncadd.s32 $0xFFFFFFFF  }
0xa5: {  	s26 =	simm.s32 $execute0_lowered;
	[smem:$0x3FD2] =	sst s25  }
0xa6: {  	s4 =	sshll.u32 s26, $0x1;
	_ =	strace $0x80000046;
	[dreg:$0x1] =	wrdreg $0xFFFFFFFF  }
0xa7: {  	s28 =	simm.s32 $_size_execute0_lowered;
	s2 =	sadd.s32 s2, s4;
	[dreg:$0x0] =	wrdreg $0x0  }
0xa8: {  	s4 =	sshll.u32 s28, $0x1;
	[dreg:$0x2] =	wrdreg s2  }
0xa9: {  	[dreg:$0x3] =	wrdreg s4  }
0xaa: {  	[dreg:$0x4] =	wrdreg $0xC0  }
0xab: {  	_ =	task [dreg:s6], $0x5FFFF  }
0xac: {  	[dreg:$0x1] =	wrdreg $0xFFFFFFFF  }
0xad: {  	[dreg:$0x0] =	wrdreg $0x60  }
0xae: {  	[dreg:$0x2] =	wrdreg s24  }
0xaf: {  	[dreg:$0x3] =	wrdreg $0x9  }
0xb0: {  	_ =	task.clear_ibuf [dreg:s6], $0x4FFFF;
	_ =	strace $0x90000046  }
0xb1: {  	s29 =	simm.s32 $0x9;
	_ =	strace $0x80000048  }
0xb2: {  	_ =	swait.ge [sflag:s29], $0x1  }
0xb3: {  	[sflag:s29] =	ssyncadd.s32 $0xFFFFFFFF  }
0xb4: {  	_ =	strace $0x90000048  }
0xb5: {  	_ =	sfence  }
0xb6: {  	s30 =	sld [smem:$0x0];
	_ =	sdelay $0x2  }
0xb7: {  	s31 =	sshll.u32 s1, $0xD;
	s1 =	sshrl.u32 s1, $0x2  }
0xb8: {  	s3 =	sand.u32 $0x4000, s31;
	s1 =	sadd.s32 s1, s30  }
0xb9: {  	s0 =	sor.u32 s3, s0;
	s1 =	sshll.u32 s1, $0x11  }
0xba: {  	s0 =	sor.u32 s1, s0  }
0xbb: {  	s0 =	sadd.s32 $0x8F2B, s0  }
0xbc: {  	[sflag:s0] =	ssyncadd.remote.s32 $0x1  }
0xbd: {  	_ =	sfence.sel $0xFFFF  }
0xbe: {  	[dreg:$0x0] =	wrdreg $0xFFFFFFFF;
	(pc) =	sbr.abs _section_cstart, $3  }
0xbf: {  	[dreg:$0x1] =	wrdreg $0xFFFFFFFF  }
0xc0: {  	_ =	task.clear_ibuf [dreg:s6], $0x2FFFF;
	_ =	strace $0x9FFFFFFF  }
0xc1: {  	(tm) =	ssettm $0x7FFFFFFF  }
tec
execute0_lowered:
.L_overlay_start_1:
0x0: {  	(tag) =	ssettag $0x1  }
0x1: {  	s1 =	srdreg.scid  }
0x2: {  	s0 =	stileid.u32;
	s3 =	rddreg [dreg:$0x0];
	s8 =	simm.s32 $0x1  }
0x3: {  	s9 =	simm.s32 $0x8000;
	s10 =	simm.s32 $0x2;
	s11 =	simm.s32 $0x80  }
0x4: {  	s12 =	simm.s32 $0x400;
	s13 =	simm.s32 $0x9700;
	s14 =	simm.s32 $0x0  }
0x5: {  	s4 =	sand.u32 $0x1, s1;
	s2 =	sshll.u32 s0, $0x1;
	s1 =	rddreg [dreg:$0x1]  }
0x6: {  	s6 =	sshrl.u32 s0, $0x2;
	s5 =	sor.u32 s4, s2;
	s2 =	simm.s32 $0x0  }
0x7: {  	s6 =	smul.u32 $0xC00, s6;
	s4 =	ssub.s32 $0x2, s4;
	s7 =	sshll.u32 s5, $0x7  }
0x8: {  	[smem:$0x7FF] =	sst s2;
	s5 =	sshll.u32 s5, $0xC;
	s7 =	sand.u32 $0x380, s7  }
0x9: {  	s31 =	sshrl.u32 s4, $0x1;
	_ =	strace $0x80000047;
	s6 =	sor.u32 s6, s7  }
0xa: {  	s5 =	sadd.s32 s5, s3;
	s7 =	ssub.s32 s4, s31;
	s6 =	sshrl.u32 s6, $0x3  }
0xb: {  	v1 =	vlaneseq.u32;
	s4 =	sadd.s32 $0xE00, s5;
	s6 =	sadd.s32 s6, s3;
	s3 =	sadd.s32 $0x600, s5  }
0xc: {  	v0 =	vimm.s32 $0x0;
	v2 =	vimm.s32 $0x1;
	v1 =	vmul.u32 $0x170, v1;
	s5 =	sadd.s32 $0x20600, s6;
	s6 =	smax.u32 s7, $0x1;
	s7 =	simm.s32 $0x4000  }
.LBB2_1:
0xd: {  	[tilespmem:s2], [sflag:$0x1] =	stream.linear.gather [hbm4b:s3+s2], $0x4000, $0x38;
	[tilespmem:$0x9880] =	vst v63  }
0xe: {  	s15 =	simm.s32 $0x8040  }
0xf: {  	[tilespmem:s7], [sflag:$0x2] =	stream.linear.gather [hbm4b:s4+s2], $0x4000, $0x38;
	[tilespmem:$0x9880] =	vst v63  }
0x10: {  	[tilespmem:s15+$0xFFFFFFC0] =	vst v0  }
0x11: {  	[tilespmem:s15+$0x30] =	vst v0  }
0x12: {  	[tilespmem:s15+$0x20] =	vst v0  }
0x13: {  	[tilespmem:s15+$0x10] =	vst v0  }
0x14: {  	[tilespmem:s15+$0x0] =	vst v0  }
0x15: {  	[tilespmem:s15+$0xFFFFFFF0] =	vst v0  }
0x16: {  	s16 =	simm.s32 $0x0;
	[tilespmem:s15+$0xFFFFFFE0] =	vst v0  }
.LBB2_2:
0x17: {  	s16 =	sadd.s32 $0x80, s16;
	[tilespmem:s15+$0xFFFFFFD0] =	vst v0;
	s15 =	sadd.s32 $0x80, s15  }
0x18: {  	[tilespmem:s15+$0xFFFFFFC0] =	vst v0;
	p0 =	slt.u32 s16, $0x1680  }
0x19: {  	[tilespmem:s15+$0x30] =	vst v0  }
.Ltmp0:
0x1a: {  	[tilespmem:s15+$0x20] =	vst v0;
	(pc) =	sbr.rel @p0 .LBB2_2-.Ltmp0, $4  }
0x1b: {  	[tilespmem:s15+$0x10] =	vst v0  }
0x1c: {  	[tilespmem:s15+$0x0] =	vst v0  }
0x1d: {  	[tilespmem:s15+$0xFFFFFFF0] =	vst v0  }
0x1e: {  	[tilespmem:s15+$0xFFFFFFE0] =	vst v0  }
0x1f: {  	[tilespmem:s15+$0xFFFFFFD0] =	vst v0  }
0x20: {  	_ =	swait.ge [sflag:s8], $0x4000  }
0x21: {  	[sflag:s8] =	ssyncset.done $0x0  }
0x22: {  	s31 =	simm.s32 $0x40;
	[sflag:s8] =	ssyncadd.s32 $0xFFFFC000  }
0x23: {  	v3 =	vld [tilespmem:s31+$0x30]  }
0x24: {  	v4 =	vld [tilespmem:s31+$0xFFFFFFD0]  }
0x25: {  	v5 =	vld [tilespmem:s31+$0xFFFFFFE0]  }
0x26: {  	v6 =	vld [tilespmem:s31+$0xFFFFFFF0]  }
0x27: {  	v7 =	vld [tilespmem:s31+$0x0]  }
0x28: {  	v8 =	vld [tilespmem:s31+$0x10];
	v3 =	vadd.s32 v1, v3  }
0x29: {  	v4 =	vadd.s32 v1, v4  }
0x2a: {  	v5 =	vadd.s32 v1, v5  }
0x2b: {  	v9 =	vld [tilespmem:s31+$0x20];
	v6 =	vadd.s32 v1, v6  }
0x2c: {  	v10 =	vld [tilespmem:s31+$0xFFFFFFC0];
	v7 =	vadd.s32 v1, v7  }
0x2d: {  	v8 =	vadd.s32 v1, v8;
	[tilespmem:v3+s9+$0x0] =	vst.idx.add.s32.msk $0xffff, v2  }
0x2e: {  	[tilespmem:v4+s9+$0x0] =	vst.idx.add.s32.msk $0xffff, v2  }
0x2f: {  	[tilespmem:v5+s9+$0x0] =	vst.idx.add.s32.msk $0xffff, v2  }
0x30: {  	[tilespmem:v6+s9+$0x0] =	vst.idx.add.s32.msk $0xffff, v2  }
0x31: {  	[tilespmem:v7+s9+$0x0] =	vst.idx.add.s32.msk $0xffff, v2  }
0x32: {  	s15 =	simm.s32 $0x0;
	s16 =	simm.s32 $0xC0;
	v3 =	vadd.s32 v1, v9;
	v4 =	vadd.s32 v1, v10;
	[tilespmem:v8+s9+$0x0] =	vst.idx.add.s32.msk $0xffff, v2  }
.LBB2_4:
0x33: {  	v5 =	vld [tilespmem:s16+$0x30];
	s15 =	sadd.s32 $0x80, s15  }
0x34: {  	v6 =	vld [tilespmem:s16+$0xFFFFFFD0];
	p0 =	slt.u32 s15, $0x3F80  }
0x35: {  	v7 =	vld [tilespmem:s16+$0xFFFFFFE0]  }
0x36: {  	v8 =	vld [tilespmem:s16+$0xFFFFFFF0]  }
0x37: {  	v9 =	vld [tilespmem:s16+$0x0]  }
0x38: {  	v10 =	vld [tilespmem:s16+$0x10];
	v5 =	vadd.s32 v1, v5  }
0x39: {  	v6 =	vadd.s32 v1, v6;
	v11 =	vld [tilespmem:s16+$0x20]  }
0x3a: {  	v12 =	vld [tilespmem:s16+$0xFFFFFFC0];
	v7 =	vadd.s32 v1, v7  }
0x3b: {  	v8 =	vadd.s32 v1, v8;
	[tilespmem:v4+s9+$0x0] =	vst.idx.add.s32.msk $0xffff, v2  }
0x3c: {  	v9 =	vadd.s32 v1, v9;
	[tilespmem:v3+s9+$0x0] =	vst.idx.add.s32.msk $0xffff, v2  }
0x3d: {  	v10 =	vadd.s32 v1, v10;
	[tilespmem:v5+s9+$0x0] =	vst.idx.add.s32.msk $0xffff, v2  }
.Ltmp1:
0x3e: {  	[tilespmem:v6+s9+$0x0] =	vst.idx.add.s32.msk $0xffff, v2;
	v3 =	vadd.s32 v1, v11;
	(pc) =	sbr.rel @p0 .LBB2_4-.Ltmp1, $4  }
0x3f: {  	v4 =	vadd.s32 v1, v12;
	[tilespmem:v7+s9+$0x0] =	vst.idx.add.s32.msk $0xffff, v2  }
0x40: {  	[tilespmem:v8+s9+$0x0] =	vst.idx.add.s32.msk $0xffff, v2  }
0x41: {  	[tilespmem:v9+s9+$0x0] =	vst.idx.add.s32.msk $0xffff, v2  }
0x42: {  	s16 =	sadd.s32 $0x80, s16;
	[tilespmem:v10+s9+$0x0] =	vst.idx.add.s32.msk $0xffff, v2  }
0x43: {  	_ =	sdelay $0x3  }
0x44: {  	[tilespmem:v4+s9+$0x0] =	vst.idx.add.s32.msk $0xffff, v2  }
0x45: {  	[tilespmem:v3+s9+$0x0] =	vst.idx.add.s32.msk $0xffff, v2  }
0x46: {  	_ =	swait.ge [sflag:s10], $0x4000  }
0x47: {  	[sflag:s10] =	ssyncset.done $0x0  }
0x48: {  	s15 =	simm.s32 $0x4070;
	[sflag:s10] =	ssyncadd.s32 $0xFFFFC000  }
0x49: {  	v3 =	vld [tilespmem:s15+$0x0]  }
0x4a: {  	v4 =	vld [tilespmem:s15+$0xFFFFFFA0]  }
0x4b: {  	v5 =	vld [tilespmem:s15+$0xFFFFFFB0]  }
0x4c: {  	v6 =	vld [tilespmem:s15+$0xFFFFFFC0]  }
0x4d: {  	v7 =	vld [tilespmem:s15+$0xFFFFFFD0]  }
0x4e: {  	v8 =	vld [tilespmem:s15+$0xFFFFFFE0];
	v3 =	vadd.s32 v1, v3  }
0x4f: {  	v4 =	vadd.s32 v1, v4  }
0x50: {  	v5 =	vadd.s32 v1, v5  }
0x51: {  	v9 =	vld [tilespmem:s15+$0xFFFFFFF0];
	v6 =	vadd.s32 v1, v6  }
0x52: {  	v10 =	vld [tilespmem:s15+$0xFFFFFF90];
	v7 =	vadd.s32 v1, v7  }
0x53: {  	v8 =	vadd.s32 v1, v8;
	[tilespmem:v3+s9+$0x0] =	vst.idx.add.s32.msk $0xffff, v2  }
0x54: {  	[tilespmem:v4+s9+$0x0] =	vst.idx.add.s32.msk $0xffff, v2  }
0x55: {  	[tilespmem:v5+s9+$0x0] =	vst.idx.add.s32.msk $0xffff, v2  }
0x56: {  	[tilespmem:v6+s9+$0x0] =	vst.idx.add.s32.msk $0xffff, v2  }
0x57: {  	s17 =	simm.s32 $0x4000;
	[tilespmem:v7+s9+$0x0] =	vst.idx.add.s32.msk $0xffff, v2  }
0x58: {  	s16 =	simm.s32 $0x8B90;
	s18 =	simm.s32 $0x40F0;
	s15 =	simm.s32 $0x9710;
	v3 =	vadd.s32 v1, v9;
	v4 =	vadd.s32 v1, v10;
	[tilespmem:v8+s9+$0x0] =	vst.idx.add.s32.msk $0xffff, v2  }
.LBB2_6:
0x59: {  	v5 =	vld [tilespmem:s18+$0x0];
	s17 =	sadd.s32 $0x80, s17  }
0x5a: {  	v6 =	vld [tilespmem:s18+$0xFFFFFFA0];
	p0 =	slt.u32 s17, $0x7F80  }
0x5b: {  	v7 =	vld [tilespmem:s18+$0xFFFFFFB0]  }
0x5c: {  	v8 =	vld [tilespmem:s18+$0xFFFFFFC0]  }
0x5d: {  	v9 =	vld [tilespmem:s18+$0xFFFFFFD0]  }
0x5e: {  	v10 =	vld [tilespmem:s18+$0xFFFFFFE0];
	v5 =	vadd.s32 v1, v5  }
0x5f: {  	v6 =	vadd.s32 v1, v6;
	v11 =	vld [tilespmem:s18+$0xFFFFFFF0]  }
0x60: {  	v12 =	vld [tilespmem:s18+$0xFFFFFF90];
	v7 =	vadd.s32 v1, v7  }
0x61: {  	v8 =	vadd.s32 v1, v8;
	[tilespmem:v4+s9+$0x0] =	vst.idx.add.s32.msk $0xffff, v2  }
0x62: {  	v9 =	vadd.s32 v1, v9;
	[tilespmem:v3+s9+$0x0] =	vst.idx.add.s32.msk $0xffff, v2  }
0x63: {  	v10 =	vadd.s32 v1, v10;
	[tilespmem:v5+s9+$0x0] =	vst.idx.add.s32.msk $0xffff, v2  }
.Ltmp2:
0x64: {  	[tilespmem:v6+s9+$0x0] =	vst.idx.add.s32.msk $0xffff, v2;
	v3 =	vadd.s32 v1, v11;
	(pc) =	sbr.rel @p0 .LBB2_6-.Ltmp2, $4  }
0x65: {  	v4 =	vadd.s32 v1, v12;
	[tilespmem:v7+s9+$0x0] =	vst.idx.add.s32.msk $0xffff, v2  }
0x66: {  	[tilespmem:v8+s9+$0x0] =	vst.idx.add.s32.msk $0xffff, v2  }
0x67: {  	[tilespmem:v9+s9+$0x0] =	vst.idx.add.s32.msk $0xffff, v2  }
0x68: {  	s18 =	sadd.s32 $0x80, s18;
	[tilespmem:v10+s9+$0x0] =	vst.idx.add.s32.msk $0xffff, v2  }
0x69: {  	_ =	sdelay $0x3  }
0x6a: {  	[tilespmem:v4+s9+$0x0] =	vst.idx.add.s32.msk $0xffff, v2  }
0x6b: {  	[tilespmem:v3+s9+$0x0] =	vst.idx.add.s32.msk $0xffff, v2  }
0x6c: {  	v3 =	vld [tilespmem:s16+$0xFFFFF480]  }
0x6d: {  	v5 =	vld [tilespmem:s16+$0xFFFFF760]  }
0x6e: {  	v6 =	vld [tilespmem:s16+$0xFFFFF8D0]  }
0x6f: {  	v7 =	vld [tilespmem:s16+$0xFFFFFA40]  }
0x70: {  	v8 =	vld [tilespmem:s16+$0xFFFFFBB0]  }
0x71: {  	v9 =	vld [tilespmem:s16+$0xFFFFFD20]  }
0x72: {  	v10 =	vld [tilespmem:s16+$0xFFFFFE90]  }
0x73: {  	v11 =	vld [tilespmem:s16+$0x0]  }
0x74: {  	s17 =	simm.s32 $0x0;
	v13 =	vld [tilespmem:s16+$0x2E0]  }
0x75: {  	s18 =	sand.u32 $0x1E0, s17;
	v14 =	vld [tilespmem:s16+$0x450]  }
0x76: {  	v4 =	vld [tilespmem:s18+$0x8180]  }
0x77: {  	v15 =	vld [tilespmem:s16+$0x5C0]  }
0x78: {  	v16 =	vld [tilespmem:s16+$0x730]  }
0x79: {  	v17 =	vld [tilespmem:s16+$0x8A0]  }
0x7a: {  	v18 =	vld [tilespmem:s16+$0xA10]  }
0x7b: {  	v12 =	vld [tilespmem:s18+$0x8D00];
	v3 =	vadd.s32 v3, v4  }
0x7c: {  	v4 =	vld [tilespmem:s16+$0xFFFFF470];
	v3 =	vadd.s32 v5, v3  }
0x7d: {  	v5 =	vld [tilespmem:s16+$0xFFFFF5E0];
	v3 =	vadd.s32 v6, v3  }
0x7e: {  	v6 =	vld [tilespmem:s16+$0xFFFFF750];
	v3 =	vadd.s32 v7, v3  }
0x7f: {  	v7 =	vld [tilespmem:s16+$0xFFFFF8C0];
	v3 =	vadd.s32 v8, v3  }
0x80: {  	v8 =	vld [tilespmem:s16+$0xFFFFFA30];
	v3 =	vadd.s32 v9, v3  }
0x81: {  	v9 =	vld [tilespmem:s16+$0xFFFFFBA0];
	v3 =	vadd.s32 v10, v3  }
0x82: {  	v4 =	vadd.s32 v4, v5;
	v10 =	vld [tilespmem:s16+$0xFFFFFD10];
	v3 =	vadd.s32 v11, v3  }
0x83: {  	v4 =	vadd.s32 v6, v4;
	v6 =	vld [tilespmem:s16+$0xFFFFFE80];
	v3 =	vadd.s32 v12, v3  }
0x84: {  	v4 =	vadd.s32 v7, v4;
	v7 =	vld [tilespmem:s18+$0x8B80];
	v3 =	vadd.s32 v13, v3  }
0x85: {  	v4 =	vadd.s32 v8, v4;
	v8 =	vld [tilespmem:s16+$0x160];
	v3 =	vadd.s32 v14, v3  }
0x86: {  	v5 =	vld [tilespmem:s16+$0x2D0];
	v4 =	vadd.s32 v9, v4;
	v3 =	vadd.s32 v15, v3  }
0x87: {  	v4 =	vadd.s32 v10, v4;
	v9 =	vadd.s32 v16, v3;
	v3 =	vld [tilespmem:s16+$0x440]  }
0x88: {  	v6 =	vadd.s32 v6, v4;
	v4 =	vld [tilespmem:s16+$0x5B0];
	v9 =	vadd.s32 v17, v9  }
0x89: {  	v7 =	vadd.s32 v7, v6;
	v6 =	vld [tilespmem:s16+$0x720];
	v9 =	vadd.s32 v18, v9  }
0x8a: {  	v8 =	vadd.s32 v8, v7;
	v7 =	vld [tilespmem:s16+$0x890];
	[tilespmem:s15+$0x0] =	vst v9  }
.LBB2_8:
0x8b: {  	s17 =	sadd.s32 $0x20, s17;
	v5 =	vadd.s32 v5, v8;
	v8 =	vld [tilespmem:s16+$0xA00];
	s16 =	sadd.s32 $0x20, s16  }
0x8c: {  	s18 =	sand.u32 $0x1E0, s17;
	v9 =	vld [tilespmem:s16+$0xFFFFF480];
	p0 =	slt.u32 s17, $0x140;
	v3 =	vadd.s32 v3, v5  }
0x8d: {  	v5 =	vld [tilespmem:s18+$0x8180];
	v3 =	vadd.s32 v4, v3  }
0x8e: {  	v4 =	vld [tilespmem:s16+$0xFFFFF760];
	v3 =	vadd.s32 v6, v3  }
0x8f: {  	v6 =	vld [tilespmem:s16+$0xFFFFF8D0];
	v3 =	vadd.s32 v7, v3  }
0x90: {  	v7 =	vld [tilespmem:s16+$0xFFFFFA40];
	v3 =	vadd.s32 v8, v3  }
0x91: {  	v8 =	vld [tilespmem:s16+$0xFFFFFBB0];
	[tilespmem:s15+$0xFFFFFFF0] =	vst v3  }
0x92: {  	v3 =	vadd.s32 v9, v5;
	v5 =	vld [tilespmem:s16+$0xFFFFFD20]  }
0x93: {  	v3 =	vadd.s32 v4, v3;
	v4 =	vld [tilespmem:s16+$0xFFFFFE90]  }
0x94: {  	v3 =	vadd.s32 v6, v3;
	v6 =	vld [tilespmem:s16+$0x0]  }
0x95: {  	v3 =	vadd.s32 v7, v3;
	v7 =	vld [tilespmem:s18+$0x8D00]  }
0x96: {  	v3 =	vadd.s32 v8, v3;
	v8 =	vld [tilespmem:s16+$0x2E0]  }
0x97: {  	v3 =	vadd.s32 v5, v3;
	v5 =	vld [tilespmem:s16+$0x450]  }
0x98: {  	v3 =	vadd.s32 v4, v3;
	v4 =	vld [tilespmem:s16+$0x5C0]  }
0x99: {  	v3 =	vadd.s32 v6, v3;
	v6 =	vld [tilespmem:s16+$0x730]  }
0x9a: {  	v3 =	vadd.s32 v7, v3;
	v7 =	vld [tilespmem:s16+$0x8A0]  }
0x9b: {  	v3 =	vadd.s32 v8, v3;
	v8 =	vld [tilespmem:s16+$0xA10]  }
0x9c: {  	v9 =	vld [tilespmem:s16+$0xFFFFF470];
	v3 =	vadd.s32 v5, v3  }
0x9d: {  	v5 =	vld [tilespmem:s16+$0xFFFFF5E0];
	v3 =	vadd.s32 v4, v3  }
0x9e: {  	v4 =	vld [tilespmem:s16+$0xFFFFF750];
	v3 =	vadd.s32 v6, v3  }
0x9f: {  	v6 =	vld [tilespmem:s16+$0xFFFFF8C0];
	v3 =	vadd.s32 v7, v3  }
0xa0: {  	s15 =	sadd.s32 $0x20, s15;
	v7 =	vld [tilespmem:s16+$0xFFFFFA30];
	v3 =	vadd.s32 v8, v3  }
0xa1: {  	v8 =	vld [tilespmem:s16+$0xFFFFFBA0];
	[tilespmem:s15+$0x0] =	vst v3  }
0xa2: {  	v3 =	vadd.s32 v9, v5;
	v9 =	vld [tilespmem:s16+$0xFFFFFD10]  }
0xa3: {  	v3 =	vadd.s32 v4, v3;
	v4 =	vld [tilespmem:s16+$0xFFFFFE80]  }
0xa4: {  	v3 =	vadd.s32 v6, v3;
	v6 =	vld [tilespmem:s18+$0x8B80]  }
0xa5: {  	v3 =	vadd.s32 v7, v3;
	v7 =	vld [tilespmem:s16+$0x160]  }
.Ltmp3:
0xa6: {  	v3 =	vadd.s32 v8, v3;
	v5 =	vld [tilespmem:s16+$0x2D0];
	(pc) =	sbr.rel @p0 .LBB2_8-.Ltmp3, $4  }
0xa7: {  	v8 =	vadd.s32 v9, v3;
	v3 =	vld [tilespmem:s16+$0x440]  }
0xa8: {  	v8 =	vadd.s32 v4, v8;
	v4 =	vld [tilespmem:s16+$0x5B0]  }
0xa9: {  	v8 =	vadd.s32 v6, v8;
	v6 =	vld [tilespmem:s16+$0x720]  }
0xaa: {  	v8 =	vadd.s32 v7, v8;
	v7 =	vld [tilespmem:s16+$0x890]  }
0xab: {  	v5 =	vadd.s32 v5, v8;
	v48 =	vld [tilespmem:s16+$0xA00]  }
0xac: {  	v3 =	vadd.s32 v3, v5  }
0xad: {  	v3 =	vadd.s32 v4, v3  }
0xae: {  	v3 =	vadd.s32 v6, v3  }
0xaf: {  	v3 =	vadd.s32 v7, v3  }
0xb0: {  	v3 =	vadd.s32 v48, v3  }
0xb1: {  	[tilespmem:s15+$0xFFFFFFF0] =	vst v3  }
0xb2: {  	v3 =	vld [tilespmem:$0x8160]  }
0xb3: {  	v49 =	vld [tilespmem:$0x82D0]  }
0xb4: {  	v50 =	vld [tilespmem:$0x8440]  }
0xb5: {  	v51 =	vld [tilespmem:$0x85B0]  }
0xb6: {  	v52 =	vld [tilespmem:$0x8720]  }
0xb7: {  	v53 =	vld [tilespmem:$0x8890]  }
0xb8: {  	v54 =	vld [tilespmem:$0x8A00];
	v3 =	vadd.s32 v3, v49  }
0xb9: {  	v55 =	vld [tilespmem:$0x8B70];
	v3 =	vadd.s32 v50, v3  }
0xba: {  	v56 =	vld [tilespmem:$0x8CE0];
	v3 =	vadd.s32 v51, v3  }
0xbb: {  	v57 =	vld [tilespmem:$0x8E50];
	v3 =	vadd.s32 v52, v3  }
0xbc: {  	v58 =	vld [tilespmem:$0x8FC0];
	v3 =	vadd.s32 v53, v3  }
0xbd: {  	v59 =	vld [tilespmem:$0x9130];
	v3 =	vadd.s32 v54, v3  }
0xbe: {  	v60 =	vld [tilespmem:$0x92A0];
	v3 =	vadd.s32 v55, v3  }
0xbf: {  	v61 =	vld [tilespmem:$0x9410];
	v3 =	vadd.s32 v56, v3  }
0xc0: {  	v62 =	vld [tilespmem:$0x9580];
	v3 =	vadd.s32 v57, v3  }
0xc1: {  	v63 =	vld [tilespmem:$0x96F0];
	v3 =	vadd.s32 v58, v3  }
0xc2: {  	v3 =	vadd.s32 v59, v3  }
0xc3: {  	v3 =	vadd.s32 v60, v3  }
0xc4: {  	v3 =	vadd.s32 v61, v3  }
0xc5: {  	s14 =	sadd.s32 $0x1, s14;
	v3 =	vadd.s32 v62, v3  }
0xc6: {  	p0 =	sne.s32 s14, s6;
	v3 =	vadd.s32 v63, v3  }
.Ltmp4:
0xc7: {  	[tilespmem:$0x9860] =	vst v3;
	(pc) =	sbr.rel @p0 .LBB2_1-.Ltmp4, $4  }
0xc8: {  	[hbm4b:s5+s11] =	stream.strided.scatter [tilespmem:s13], [sflag:$0x1], $0x180, s12, s11, $0x38;
	[tilespmem:$0x9880] =	vst v63  }
0xc9: {  	_ =	swait.ge [sflag:s8], $0x180  }
0xca: {  	[sflag:s8] =	ssyncset.done $0x0  }
0xcb: {  	[sflag:s8] =	ssyncadd.s32 $0xFFFFFE80  }
0xcc: {  	_ =	sfence.sel $0x180000  }
0xcd: {  	[bflag:$0x0] =	sbarrier.arrive $0xFFFF  }
0xce: {  	p0 =	sne.s32 s0, $0x0;
	_ =	strace $0x90000047  }
0xcf: {  	s0 =	sadd.s32 @!p0 $0x100000, s1;
	[bflag:$0x2] =	sbarrier.arrive $0xFFFF  }
0xd0: {  	[sflag:s0] =	ssyncadd.tile.s32 @!p0 $0x1;
	_ =	shalt  }
.Lfunc_end2:
_tile_overlayer_lowered:
.L_overlay_start_2:
0xd1: {  	(tag) =	ssettag $0x2  }
0xd2: {  	s0 =	rddreg [dreg:$0x0];
	s2 =	stileid.u32  }
0xd3: {  	s1 =	rddreg [dreg:$0x1];
	p0 =	sne.s32 s2, $0x0  }
0xd4: {  	s3 =	rddreg [dreg:$0x2];
	[bflag:$0x3] =	sbarrier.arrive $0xFFFF;
	s2 =	simm.s32 @!p0 $0x1C03  }
0xd5: {  	[timem:s3], [sflag:s2] =	dma.local @!p0 [hbm:s0], s1  }
0xd6: {  	s0 =	simm.s32 @!p0 $0x3  }
0xd7: {  	_ =	swait.ge @!p0 [sflag:s0], s1  }
0xd8: {  	s1 =	ssub.s32 @!p0 $0x0, s1;
	[sflag:s0] =	ssyncset.done @!p0 $0x0  }
0xd9: {  	[sflag:s0] =	ssyncadd.s32 @!p0 s1  }
0xda: {  	[bflag:$0x3] =	sbarrier.arrive $0xFFFF  }
0xdb: {  	_ =	shalt  }

</sc_bundles>
